<compile_context>
chip_gen: v7x
topology: tpu7x:2x2x1
jax: 0.10.2.dev20260603
libtpu: 0.0.44.dev20260713+nightly
codegen_flags: <defaults>
</compile_context>

<pallas_src>
import functools

import jax
import jax.numpy as jnp
from jax import lax
from jax.experimental import pallas as pl
from jax.experimental.pallas import tpu as pltpu
from jax.experimental.pallas import tpu_sc as plsc

N0, N1, N2 = 10000, 5000, 1024
E0, E1 = 160000, 32768
D_IN, D_HID, D_OUT = 128, 128, 64

NC, NS, L = 2, 16, 16
NW = NC * NS
CH = 128

N1P = 5120
E0P = NW * 40 * CH
C0 = E0P // (NW * CH)
C1 = E1 // (NW * CH)

_MESH = plsc.VectorSubcoreMesh(core_axis_name="c", subcore_axis_name="s")


def _ids():
    cid = lax.axis_index("c")
    sid = lax.axis_index("s")
    return cid, sid, sid * NC + cid


def _zero_stripe(zeros, ref, base, rows_per_tile):
    def zero_rows(i, _):
        pltpu.sync_copy(zeros, ref.at[pl.ds(base + i * 16, 16)])
        return 0

    lax.fori_loop(0, rows_per_tile // 16, zero_rows, 0)


def _make_seg_sum(d, npad, nchunks):
    rows_per_tile = npad // NS

    K = 4
    D = 2

    @functools.partial(
        pl.kernel,
        out_type=jax.ShapeDtypeStruct((NC, npad, d), jnp.float32),
        mesh=_MESH,
        scratch_types=[
            pltpu.VMEM((nchunks, CH), jnp.int32),
            pltpu.VMEM((nchunks, CH), jnp.int32),
            pltpu.VMEM((K * CH, d), jnp.float32),
            pltpu.VMEM_SHARED((npad, d), jnp.float32),
            pltpu.SemaphoreType.DMA,
            pltpu.SemaphoreType.DMA,
        ],
    )
    def seg_sum(table, srcs, dsts, zeros, sum_out,
                src_v, dst_v, rows_v, acc, sem_g, sem_s):
        cid, sid, wid = _ids()
        base = sid * rows_per_tile

        _zero_stripe(zeros, acc, base, rows_per_tile)
        pltpu.sync_copy(srcs.at[wid], src_v)
        pltpu.sync_copy(dsts.at[wid], dst_v)

        plsc.subcore_barrier()

        def step(j, _):
            @pl.when(jnp.logical_and(j >= D, j < nchunks + D))
            def _():
                pltpu.make_async_copy(table.at[pl.ds(0, CH)],
                                      rows_v.at[pl.ds(0, CH)], sem_g).wait()
                jd = j - D
                slot = lax.rem(jd, K)
                pltpu.async_copy(rows_v.at[pl.ds(slot * CH, CH)],
                                 acc.at[dst_v.at[jd]], sem_s, add=True)

            @pl.when(j >= K)
            def _():
                pltpu.make_async_copy(table.at[pl.ds(0, CH)],
                                      rows_v.at[pl.ds(0, CH)], sem_s).wait()

            @pl.when(j < nchunks)
            def _():
                slot = lax.rem(j, K)
                pltpu.async_copy(table.at[src_v.at[j]],
                                 rows_v.at[pl.ds(slot * CH, CH)], sem_g)
            return 0

        lax.fori_loop(0, nchunks + D, step, 0)

        def tail_drain(j, _):
            pltpu.make_async_copy(table.at[pl.ds(0, CH)],
                                  rows_v.at[pl.ds(0, CH)], sem_s).wait()
            return 0

        lax.fori_loop(0, K - D, tail_drain, 0)

        plsc.subcore_barrier()

        pltpu.sync_copy(acc.at[pl.ds(base, rows_per_tile)],
                        sum_out.at[cid, pl.ds(base, rows_per_tile)])

    return seg_sum


def _make_cnt(npad, nchunks):
    rows_per_tile = npad // NS

    @functools.partial(
        pl.kernel,
        out_type=jax.ShapeDtypeStruct((NC, npad, 128), jnp.float32),
        mesh=_MESH,
        scratch_types=[
            pltpu.VMEM((nchunks, CH), jnp.int32),
            pltpu.VMEM((CH, 128), jnp.float32),
            pltpu.VMEM_SHARED((npad, 128), jnp.float32),
            pltpu.SemaphoreType.DMA,
        ],
    )
    def cnt(dsts, zeros, ones, cnt_out, dst_v, ones_v, cnt_acc, sem):
        cid, sid, wid = _ids()
        base = sid * rows_per_tile

        _zero_stripe(zeros, cnt_acc, base, rows_per_tile)
        pltpu.sync_copy(dsts.at[wid], dst_v)
        pltpu.sync_copy(ones, ones_v)

        plsc.subcore_barrier()

        def fire(j, _):
            pltpu.async_copy(ones_v, cnt_acc.at[dst_v.at[j]], sem, add=True)
            return 0

        lax.fori_loop(0, nchunks, fire, 0)

        def drain(j, _):
            pltpu.make_async_copy(ones, ones_v, sem).wait()
            return 0

        lax.fori_loop(0, nchunks, drain, 0)

        plsc.subcore_barrier()

        pltpu.sync_copy(cnt_acc.at[pl.ds(base, rows_per_tile)],
                        cnt_out.at[cid, pl.ds(base, rows_per_tile)])

    return cnt


_seg0 = _make_seg_sum(D_IN, N1P, C0)
_seg1 = _make_seg_sum(128, N2, C1)
_cnt0 = _make_cnt(N1P, C0)


def _dense0_body(sum0, cnt0, xdst, wl0t, wr0t, b0, wl1t, h_out, g1_out):
    s = sum0[0] + sum0[1]
    cnt = (cnt0[0] + cnt0[1])[:, 0]
    inv = 1.0 / jnp.maximum(cnt, 1.0)
    mean = s[:N1] * inv[:N1, None]
    h = jnp.dot(mean, wl0t[...], preferred_element_type=jnp.float32)
    h = h + b0[...][None, :]
    h = h + jnp.dot(xdst[...], wr0t[...], preferred_element_type=jnp.float32)
    h = jnp.maximum(h, 0.0)
    h_out[...] = h
    g1 = jnp.dot(h, wl1t[...], preferred_element_type=jnp.float32)
    onehot = (lax.broadcasted_iota(jnp.int32, (1, 128), 1) == D_OUT).astype(jnp.float32)
    g1_out[...] = g1 + onehot


def _dense1_body(sum1, h1, wr1t, b1, out_ref):
    s = sum1[0] + sum1[1]
    cnt = s[:, D_OUT]
    mean = s[:, :D_OUT] / jnp.maximum(cnt, 1.0)[:, None]
    v = mean + b1[...][None, :]
    v = v + jnp.dot(h1[...], wr1t[...], preferred_element_type=jnp.float32)
    m = jnp.max(v, axis=-1, keepdims=True)
    sh = v - m
    lse = jnp.log(jnp.sum(jnp.exp(sh), axis=-1, keepdims=True))
    out_ref[...] = sh - lse


def kernel(x, edge_index_0, edge_index_1, Wl0, Wr0, b0, Wl1, Wr1, b1):
    src0 = edge_index_0[0].astype(jnp.int32)
    dst0 = edge_index_0[1].astype(jnp.int32)
    wpad = (E0P - E0) // NW
    dummy_dst = jnp.broadcast_to(
        N1 + jnp.arange(wpad, dtype=jnp.int32) % (N1P - N1), (NW, wpad))
    src0 = jnp.concatenate(
        [src0.reshape(NW, E0 // NW), jnp.zeros((NW, wpad), jnp.int32)],
        axis=1).reshape(NW, C0, CH)
    dst0 = jnp.concatenate(
        [dst0.reshape(NW, E0 // NW), dummy_dst], axis=1).reshape(NW, C0, CH)
    src1 = edge_index_1[0].astype(jnp.int32).reshape(NW, C1, CH)
    dst1 = edge_index_1[1].astype(jnp.int32).reshape(NW, C1, CH)

    zeros0 = jnp.zeros((16, D_IN), jnp.float32)
    ones0 = jnp.ones((CH, 128), jnp.float32)
    zeros1 = jnp.zeros((16, 128), jnp.float32)

    sum0 = _seg0(x, src0, dst0, zeros0)
    cnt0 = _cnt0(dst0, zeros1, ones0)

    h, g1 = pl.pallas_call(
        _dense0_body,
        out_shape=(
            jax.ShapeDtypeStruct((N1, D_HID), jnp.float32),
            jax.ShapeDtypeStruct((N1, 128), jnp.float32),
        ),
    )(sum0, cnt0, x[:N1], Wl0.T, Wr0.T, b0,
      jnp.concatenate([Wl1.T, jnp.zeros((D_HID, 128 - D_OUT), jnp.float32)], axis=1))

    sum1 = _seg1(g1, src1, dst1, zeros1)

    out = pl.pallas_call(
        _dense1_body,
        out_shape=jax.ShapeDtypeStruct((N2, D_OUT), jnp.float32),
    )(sum1, h[:N2], Wr1.T, b1)

    return out

# --- scband reference (transcript-rebuilt; emitter-appended) ---
"""Pipeline reference for scband-sage-pyg-51848845197551 (READ-ONLY COPY).

The authoritative reference and input builder live on the scoring server;
editing this copy changes nothing except your own understanding.
"""

import jax, jax.numpy as jnp
import numpy as np

N0, N1, N2 = 10000, 5000, 1024
E0, E1 = 160000, 32768
D_IN, D_HID, D_OUT = 128, 128, 64


def setup_inputs(seed: int = 0) -> dict:
    key = jax.random.key(seed)
    ks = jax.random.split(key, 12)
    x = jax.random.normal(ks[0], (N0, D_IN), dtype=jnp.float32)
    # bipartite edge_index per layer: row 0 = src (into source node set), row 1 = dst (into target set)
    src0 = jax.random.randint(ks[1], (E0,), 0, N0)
    dst0 = jax.random.randint(ks[2], (E0,), 0, N1)
    edge_index_0 = jnp.stack([src0, dst0]).astype(jnp.int64)
    src1 = jax.random.randint(ks[3], (E1,), 0, N1)
    dst1 = jax.random.randint(ks[4], (E1,), 0, N2)
    edge_index_1 = jnp.stack([src1, dst1]).astype(jnp.int64)
    # SAGEConv params: lin_l (neighbor path, with bias), lin_r (root path, no bias)
    s_in = 1.0 / np.sqrt(D_IN)
    s_hid = 1.0 / np.sqrt(D_HID)
    Wl0 = jax.random.uniform(ks[5], (D_HID, D_IN), jnp.float32, -s_in, s_in)
    Wr0 = jax.random.uniform(ks[6], (D_HID, D_IN), jnp.float32, -s_in, s_in)
    b0 = jnp.zeros((D_HID,), jnp.float32)
    Wl1 = jax.random.uniform(ks[7], (D_OUT, D_HID), jnp.float32, -s_hid, s_hid)
    Wr1 = jax.random.uniform(ks[8], (D_OUT, D_HID), jnp.float32, -s_hid, s_hid)
    b1 = jnp.zeros((D_OUT,), jnp.float32)
    return {"x": x, "edge_index_0": edge_index_0, "edge_index_1": edge_index_1,
            "Wl0": Wl0, "Wr0": Wr0, "b0": b0, "Wl1": Wl1, "Wr1": Wr1, "b1": b1}


def _sage_conv(x_src, x_dst, edge_index, Wl, Wr, b):
    src = edge_index[0]
    dst = edge_index[1]
    nt = x_dst.shape[0]
    msg = jnp.take(x_src, src, axis=0)                      # gather
    summed = jax.ops.segment_sum(msg, dst, num_segments=nt)  # scatter-add
    cnt = jax.ops.segment_sum(jnp.ones((src.shape[0],), x_src.dtype), dst, num_segments=nt)
    mean = summed / jnp.clip(cnt, 1.0, None)[:, None]
    return mean @ Wl.T + b + x_dst @ Wr.T


def reference(x, edge_index_0, edge_index_1, Wl0, Wr0, b0, Wl1, Wr1, b1):
    # layer 0: targets are first N1 nodes
    h = _sage_conv(x, x[:N1], edge_index_0, Wl0, Wr0, b0)
    h = jax.nn.relu(h)
    # dropout is identity in eval mode (training=False)
    # layer 1: targets are first N2 nodes
    out = _sage_conv(h, h[:N2], edge_index_1, Wl1, Wr1, b1)
    return jax.nn.log_softmax(out, axis=-1)

if __name__ == "__main__":
    import jax
    _d = setup_inputs()
    print(jax.jit(kernel)(*tuple(_d.values())))

</pallas_src>

<mosaic_0001>
#map = affine_map<(d0, d1) -> (0, 0)>
#map1 = affine_map<(d0, d1) -> (0, 0, 0)>
module attributes {stable_mosaic.version = 14 : i64} {
  func.func @seg_sum(%arg0: i32, %arg1: i32, %arg2: memref<5000x128xf32, #tpu.memory_space<hbm>>, %arg3: memref<32x8x128xi32, #tpu.memory_space<hbm>>, %arg4: memref<32x8x128xi32, #tpu.memory_space<hbm>>, %arg5: memref<16x128xf32, #tpu.memory_space<hbm>>, %arg6: memref<2x1024x128xf32, #tpu.memory_space<hbm>>, %arg7: memref<8x128xi32, #tpu.memory_space<vmem>>, %arg8: memref<8x128xi32, #tpu.memory_space<vmem>>, %arg9: memref<512x128xf32, #tpu.memory_space<vmem>>, %arg10: memref<1024x128xf32, #tpu.memory_space<vmem_shared>>, %arg11: memref<!tpu.dma_semaphore, #tpu.memory_space<semaphore_mem>>, %arg12: memref<!tpu.dma_semaphore, #tpu.memory_space<semaphore_mem>>) attributes {dimension_semantics = [#tpu.dimension_semantics<core_parallel>, #tpu.dimension_semantics<subcore_parallel>], iteration_bounds = array<i64: 2, 16>, scalar_prefetch = 0 : i64, scratch_operands = 6 : i64, tpu.core_type = #tpu.core_type<sc_vector_subcore>, window_params = [{transform_indices = #map}, {transform_indices = #map1}, {transform_indices = #map1}, {transform_indices = #map}, {transform_indices = #map1}]} {
    %mul3A = arith.constant 2 : i32
    %mul3A_0 = arith.muli %arg1, %mul3A : i32
    %add3A = arith.addi %mul3A_0, %arg0 : i32
    %mul3A_1 = arith.constant 64 : i32
    %mul3A_2 = arith.muli %arg1, %mul3A_1 : i32
    %scan3A = arith.constant 0 : i32
    %scan3A_3 = arith.constant 0 : i32
    %scan3A_4 = arith.constant 4 : i32
    %scan3A_5 = arith.addi %scan3A_3, %scan3A_4 : i32
    %scan3A_6 = arith.constant 1 : i32
    %scan3A_7 = scf.for %scan3A_24 = %scan3A_3 to %scan3A_5 step %scan3A_6 iter_args(%scan3A_25 = %scan3A) -> (i32)  : i32 {
      %mul3A_26 = arith.constant 16 : i32
      %mul3A_27 = arith.muli %scan3A_24, %mul3A_26 : i32
      %add3A_28 = arith.addi %mul3A_2, %mul3A_27 : i32
      "tpu.region"() ({
        %run_scoped3A = tpu.sem_alloc : memref<!tpu.dma_semaphore, #tpu.memory_space<semaphore_mem>>
        %dma_start3A = arith.constant 0 : i32
        %dma_start3A_30 = tpu.memref_slice %arg10[%add3A_28, %dma_start3A] : memref<1024x128xf32, #tpu.memory_space<vmem_shared>> -> memref<16x128xf32, #tpu.memory_space<vmem_shared>>
        tpu.enqueue_dma source(%arg5 : memref<16x128xf32, #tpu.memory_space<hbm>>) target(%dma_start3A_30 : memref<16x128xf32, #tpu.memory_space<vmem_shared>>) target_semaphore(%run_scoped3A : memref<!tpu.dma_semaphore, #tpu.memory_space<semaphore_mem>>)
        %dma_wait3A = arith.constant 0 : i32
        %dma_wait3A_31 = tpu.memref_slice %arg10[%add3A_28, %dma_wait3A] : memref<1024x128xf32, #tpu.memory_space<vmem_shared>> -> memref<16x128xf32, #tpu.memory_space<vmem_shared>>
        tpu.wait_dma2 semaphore(%run_scoped3A : memref<!tpu.dma_semaphore, #tpu.memory_space<semaphore_mem>>) src(%arg5 : memref<16x128xf32, #tpu.memory_space<hbm>>) dst(%dma_wait3A_31 : memref<16x128xf32, #tpu.memory_space<vmem_shared>>)
        tpu.yield
      }) : () -> ()
      %scan3A_29 = arith.constant 0 : i32
      scf.yield %scan3A_29 : i32
    }
    %scan3A_8 = arith.constant 4 : i32
    "tpu.region"() ({
      %run_scoped3A = tpu.sem_alloc : memref<!tpu.dma_semaphore, #tpu.memory_space<semaphore_mem>>
      %dma_start3A = arith.constant 0 : i32
      %dma_start3A_24 = arith.constant 0 : i32
      %dma_start3A_25 = tpu.memref_slice %arg3[%add3A, %dma_start3A, %dma_start3A_24] : memref<32x8x128xi32, #tpu.memory_space<hbm>> -> memref<1x8x128xi32, #tpu.memory_space<hbm>>
      %dma_start3A_26 = tpu.memref_squeeze %dma_start3A_25 : memref<1x8x128xi32, #tpu.memory_space<hbm>> -> memref<8x128xi32, #tpu.memory_space<hbm>>
      %dma_start3A_27 = arith.constant 0 : i32
      %dma_start3A_28 = arith.constant 0 : i32
      %dma_start3A_29 = tpu.memref_slice %arg3[%add3A, %dma_start3A_27, %dma_start3A_28] : memref<32x8x128xi32, #tpu.memory_space<hbm>> -> memref<1x8x128xi32, #tpu.memory_space<hbm>>
      %dma_start3A_30 = tpu.memref_squeeze %dma_start3A_29 : memref<1x8x128xi32, #tpu.memory_space<hbm>> -> memref<8x128xi32, #tpu.memory_space<hbm>>
      tpu.enqueue_dma source(%dma_start3A_30 : memref<8x128xi32, #tpu.memory_space<hbm>>) target(%arg7 : memref<8x128xi32, #tpu.memory_space<vmem>>) target_semaphore(%run_scoped3A : memref<!tpu.dma_semaphore, #tpu.memory_space<semaphore_mem>>)
      %dma_wait3A = arith.constant 0 : i32
      %dma_wait3A_31 = arith.constant 0 : i32
      %dma_wait3A_32 = tpu.memref_slice %arg3[%add3A, %dma_wait3A, %dma_wait3A_31] : memref<32x8x128xi32, #tpu.memory_space<hbm>> -> memref<1x8x128xi32, #tpu.memory_space<hbm>>
      %dma_wait3A_33 = tpu.memref_squeeze %dma_wait3A_32 : memref<1x8x128xi32, #tpu.memory_space<hbm>> -> memref<8x128xi32, #tpu.memory_space<hbm>>
      %dma_wait3A_34 = arith.constant 0 : i32
      %dma_wait3A_35 = arith.constant 0 : i32
      %dma_wait3A_36 = tpu.memref_slice %arg3[%add3A, %dma_wait3A_34, %dma_wait3A_35] : memref<32x8x128xi32, #tpu.memory_space<hbm>> -> memref<1x8x128xi32, #tpu.memory_space<hbm>>
      %dma_wait3A_37 = tpu.memref_squeeze %dma_wait3A_36 : memref<1x8x128xi32, #tpu.memory_space<hbm>> -> memref<8x128xi32, #tpu.memory_space<hbm>>
      tpu.wait_dma2 semaphore(%run_scoped3A : memref<!tpu.dma_semaphore, #tpu.memory_space<semaphore_mem>>) src(%dma_wait3A_37 : memref<8x128xi32, #tpu.memory_space<hbm>>) dst(%arg7 : memref<8x128xi32, #tpu.memory_space<vmem>>)
      tpu.yield
    }) : () -> ()
    "tpu.region"() ({
      %run_scoped3A = tpu.sem_alloc : memref<!tpu.dma_semaphore, #tpu.memory_space<semaphore_mem>>
      %dma_start3A = arith.constant 0 : i32
      %dma_start3A_24 = arith.constant 0 : i32
      %dma_start3A_25 = tpu.memref_slice %arg4[%add3A, %dma_start3A, %dma_start3A_24] : memref<32x8x128xi32, #tpu.memory_space<hbm>> -> memref<1x8x128xi32, #tpu.memory_space<hbm>>
      %dma_start3A_26 = tpu.memref_squeeze %dma_start3A_25 : memref<1x8x128xi32, #tpu.memory_space<hbm>> -> memref<8x128xi32, #tpu.memory_space<hbm>>
      %dma_start3A_27 = arith.constant 0 : i32
      %dma_start3A_28 = arith.constant 0 : i32
      %dma_start3A_29 = tpu.memref_slice %arg4[%add3A, %dma_start3A_27, %dma_start3A_28] : memref<32x8x128xi32, #tpu.memory_space<hbm>> -> memref<1x8x128xi32, #tpu.memory_space<hbm>>
      %dma_start3A_30 = tpu.memref_squeeze %dma_start3A_29 : memref<1x8x128xi32, #tpu.memory_space<hbm>> -> memref<8x128xi32, #tpu.memory_space<hbm>>
      tpu.enqueue_dma source(%dma_start3A_30 : memref<8x128xi32, #tpu.memory_space<hbm>>) target(%arg8 : memref<8x128xi32, #tpu.memory_space<vmem>>) target_semaphore(%run_scoped3A : memref<!tpu.dma_semaphore, #tpu.memory_space<semaphore_mem>>)
      %dma_wait3A = arith.constant 0 : i32
      %dma_wait3A_31 = arith.constant 0 : i32
      %dma_wait3A_32 = tpu.memref_slice %arg4[%add3A, %dma_wait3A, %dma_wait3A_31] : memref<32x8x128xi32, #tpu.memory_space<hbm>> -> memref<1x8x128xi32, #tpu.memory_space<hbm>>
      %dma_wait3A_33 = tpu.memref_squeeze %dma_wait3A_32 : memref<1x8x128xi32, #tpu.memory_space<hbm>> -> memref<8x128xi32, #tpu.memory_space<hbm>>
      %dma_wait3A_34 = arith.constant 0 : i32
      %dma_wait3A_35 = arith.constant 0 : i32
      %dma_wait3A_36 = tpu.memref_slice %arg4[%add3A, %dma_wait3A_34, %dma_wait3A_35] : memref<32x8x128xi32, #tpu.memory_space<hbm>> -> memref<1x8x128xi32, #tpu.memory_space<hbm>>
      %dma_wait3A_37 = tpu.memref_squeeze %dma_wait3A_36 : memref<1x8x128xi32, #tpu.memory_space<hbm>> -> memref<8x128xi32, #tpu.memory_space<hbm>>
      tpu.wait_dma2 semaphore(%run_scoped3A : memref<!tpu.dma_semaphore, #tpu.memory_space<semaphore_mem>>) src(%dma_wait3A_37 : memref<8x128xi32, #tpu.memory_space<hbm>>) dst(%arg8 : memref<8x128xi32, #tpu.memory_space<vmem>>)
      tpu.yield
    }) : () -> ()
    %barrier3A = arith.constant 0 : index
    tpu.barrier barrier_id(%barrier3A)
    %scan3A_9 = arith.constant 0 : i32
    %scan3A_10 = arith.constant 0 : i32
    %scan3A_11 = arith.constant 10 : i32
    %scan3A_12 = arith.addi %scan3A_10, %scan3A_11 : i32
    %scan3A_13 = arith.constant 1 : i32
    %scan3A_14 = scf.for %scan3A_24 = %scan3A_10 to %scan3A_12 step %scan3A_13 iter_args(%scan3A_25 = %scan3A_9) -> (i32)  : i32 {
      %ge3A = arith.constant 2 : i32
      %ge3A_26 = arith.cmpi sge, %scan3A_24, %ge3A : i32
      %lt3A = arith.constant 10 : i32
      %lt3A_27 = arith.cmpi slt, %scan3A_24, %lt3A : i32
      %and3A = arith.andi %ge3A_26, %lt3A_27 : i1
      %convert_element_type3A = arith.extui %and3A : i1 to i32
      %cond3A = arith.constant 0 : i32
      %cond3A_28 = arith.cmpi ne, %convert_element_type3A, %cond3A : i32
      scf.if %cond3A_28 {
        %dma_wait3A = arith.constant 0 : i32
        %dma_wait3A_40 = arith.constant 0 : i32
        %dma_wait3A_41 = tpu.memref_slice %arg9[%dma_wait3A, %dma_wait3A_40] : memref<512x128xf32, #tpu.memory_space<vmem>> -> memref<128x128xf32, #tpu.memory_space<vmem>>
        %dma_wait3A_42 = arith.constant 0 : i32
        %dma_wait3A_43 = arith.constant 0 : i32
        %dma_wait3A_44 = tpu.memref_slice %arg2[%dma_wait3A_42, %dma_wait3A_43] : memref<5000x128xf32, #tpu.memory_space<hbm>> -> memref<128x128xf32, #tpu.memory_space<hbm>>
        %dma_wait3A_45 = arith.constant 0 : i32
        %dma_wait3A_46 = arith.constant 0 : i32
        %dma_wait3A_47 = tpu.memref_slice %arg9[%dma_wait3A_45, %dma_wait3A_46] : memref<512x128xf32, #tpu.memory_space<vmem>> -> memref<128x128xf32, #tpu.memory_space<vmem>>
        %dma_wait3A_48 = arith.constant 0 : i32
        %dma_wait3A_49 = arith.constant 0 : i32
        %dma_wait3A_50 = tpu.memref_slice %arg2[%dma_wait3A_48, %dma_wait3A_49] : memref<5000x128xf32, #tpu.memory_space<hbm>> -> memref<128x128xf32, #tpu.memory_space<hbm>>
        tpu.wait_dma2 semaphore(%arg11 : memref<!tpu.dma_semaphore, #tpu.memory_space<semaphore_mem>>) src(%dma_wait3A_50 : memref<128x128xf32, #tpu.memory_space<hbm>>) dst(%dma_wait3A_47 : memref<128x128xf32, #tpu.memory_space<vmem>>)
        %sub3A = arith.constant 2 : i32
        %sub3A_51 = arith.subi %scan3A_24, %sub3A : i32
        %rem3A = arith.constant 4 : i32
        %rem3A_52 = arith.remsi %sub3A_51, %rem3A : i32
        %mul3A_53 = arith.constant 128 : i32
        %mul3A_54 = arith.muli %rem3A_52, %mul3A_53 : i32
        %dma_start3A = arith.constant 0 : i32
        %dma_start3A_55 = tpu.memref_slice %arg9[%mul3A_54, %dma_start3A] : memref<512x128xf32, #tpu.memory_space<vmem>> -> memref<128x128xf32, #tpu.memory_space<vmem>>
        %dma_start3A_56 = arith.constant 0 : i32
        %dma_start3A_57 = tpu.memref_slice %arg8[%sub3A_51, %dma_start3A_56] : memref<8x128xi32, #tpu.memory_space<vmem>> -> memref<1x128xi32, #tpu.memory_space<vmem>>
        %dma_start3A_58 = tpu.memref_squeeze %dma_start3A_57 : memref<1x128xi32, #tpu.memory_space<vmem>> -> memref<128xi32, #tpu.memory_space<vmem>>
        %dma_start3A_59 = arith.constant 0 : i32
        %dma_start3A_60 = arith.constant 0 : i32
        %dma_start3A_61 = tpu.memref_slice %arg10[%dma_start3A_59, %dma_start3A_60] : memref<1024x128xf32, #tpu.memory_space<vmem_shared>> -> memref<1024x128xf32, #tpu.memory_space<vmem_shared>>
        tpu.enqueue_indirect_dma source(%dma_start3A_55 : memref<128x128xf32, #tpu.memory_space<vmem>>) target(%dma_start3A_61 : memref<1024x128xf32, #tpu.memory_space<vmem_shared>>) offsets(%dma_start3A_58 : memref<128xi32, #tpu.memory_space<vmem>>) semaphore(%arg12 : memref<!tpu.dma_semaphore, #tpu.memory_space<semaphore_mem>>) {add = true}
      } else {
      }
      %ge3A_29 = arith.constant 4 : i32
      %ge3A_30 = arith.cmpi sge, %scan3A_24, %ge3A_29 : i32
      %convert_element_type3A_31 = arith.extui %ge3A_30 : i1 to i32
      %cond3A_32 = arith.constant 0 : i32
      %cond3A_33 = arith.cmpi ne, %convert_element_type3A_31, %cond3A_32 : i32
      scf.if %cond3A_33 {
        %dma_wait3A = arith.constant 0 : i32
        %dma_wait3A_40 = arith.constant 0 : i32
        %dma_wait3A_41 = tpu.memref_slice %arg9[%dma_wait3A, %dma_wait3A_40] : memref<512x128xf32, #tpu.memory_space<vmem>> -> memref<128x128xf32, #tpu.memory_space<vmem>>
        %dma_wait3A_42 = arith.constant 0 : i32
        %dma_wait3A_43 = arith.constant 0 : i32
        %dma_wait3A_44 = tpu.memref_slice %arg2[%dma_wait3A_42, %dma_wait3A_43] : memref<5000x128xf32, #tpu.memory_space<hbm>> -> memref<128x128xf32, #tpu.memory_space<hbm>>
        %dma_wait3A_45 = arith.constant 0 : i32
        %dma_wait3A_46 = arith.constant 0 : i32
        %dma_wait3A_47 = tpu.memref_slice %arg9[%dma_wait3A_45, %dma_wait3A_46] : memref<512x128xf32, #tpu.memory_space<vmem>> -> memref<128x128xf32, #tpu.memory_space<vmem>>
        %dma_wait3A_48 = arith.constant 0 : i32
        %dma_wait3A_49 = arith.constant 0 : i32
        %dma_wait3A_50 = tpu.memref_slice %arg2[%dma_wait3A_48, %dma_wait3A_49] : memref<5000x128xf32, #tpu.memory_space<hbm>> -> memref<128x128xf32, #tpu.memory_space<hbm>>
        tpu.wait_dma2 semaphore(%arg12 : memref<!tpu.dma_semaphore, #tpu.memory_space<semaphore_mem>>) src(%dma_wait3A_50 : memref<128x128xf32, #tpu.memory_space<hbm>>) dst(%dma_wait3A_47 : memref<128x128xf32, #tpu.memory_space<vmem>>)
      } else {
      }
      %lt3A_34 = arith.constant 8 : i32
      %lt3A_35 = arith.cmpi slt, %scan3A_24, %lt3A_34 : i32
      %convert_element_type3A_36 = arith.extui %lt3A_35 : i1 to i32
      %cond3A_37 = arith.constant 0 : i32
      %cond3A_38 = arith.cmpi ne, %convert_element_type3A_36, %cond3A_37 : i32
      scf.if %cond3A_38 {
        %rem3A = arith.constant 4 : i32
        %rem3A_40 = arith.remsi %scan3A_24, %rem3A : i32
        %mul3A_41 = arith.constant 128 : i32
        %mul3A_42 = arith.muli %rem3A_40, %mul3A_41 : i32
        %dma_start3A = arith.constant 0 : i32
        %dma_start3A_43 = tpu.memref_slice %arg9[%mul3A_42, %dma_start3A] : memref<512x128xf32, #tpu.memory_space<vmem>> -> memref<128x128xf32, #tpu.memory_space<vmem>>
        %dma_start3A_44 = arith.constant 0 : i32
        %dma_start3A_45 = tpu.memref_slice %arg7[%scan3A_24, %dma_start3A_44] : memref<8x128xi32, #tpu.memory_space<vmem>> -> memref<1x128xi32, #tpu.memory_space<vmem>>
        %dma_start3A_46 = tpu.memref_squeeze %dma_start3A_45 : memref<1x128xi32, #tpu.memory_space<vmem>> -> memref<128xi32, #tpu.memory_space<vmem>>
        %dma_start3A_47 = arith.constant 0 : i32
        %dma_start3A_48 = arith.constant 0 : i32
        %dma_start3A_49 = tpu.memref_slice %arg2[%dma_start3A_47, %dma_start3A_48] : memref<5000x128xf32, #tpu.memory_space<hbm>> -> memref<5000x128xf32, #tpu.memory_space<hbm>>
        tpu.enqueue_indirect_dma source(%dma_start3A_49 : memref<5000x128xf32, #tpu.memory_space<hbm>>) target(%dma_start3A_43 : memref<128x128xf32, #tpu.memory_space<vmem>>) offsets(%dma_start3A_46 : memref<128xi32, #tpu.memory_space<vmem>>) semaphore(%arg11 : memref<!tpu.dma_semaphore, #tpu.memory_space<semaphore_mem>>)
      } else {
      }
      %scan3A_39 = arith.constant 0 : i32
      scf.yield %scan3A_39 : i32
    }
    %scan3A_15 = arith.constant 10 : i32
    %scan3A_16 = arith.constant 0 : i32
    %scan3A_17 = arith.constant 0 : i32
    %scan3A_18 = arith.constant 2 : i32
    %scan3A_19 = arith.addi %scan3A_17, %scan3A_18 : i32
    %scan3A_20 = arith.constant 1 : i32
    %scan3A_21 = scf.for %scan3A_24 = %scan3A_17 to %scan3A_19 step %scan3A_20 iter_args(%scan3A_25 = %scan3A_16) -> (i32)  : i32 {
      %dma_wait3A = arith.constant 0 : i32
      %dma_wait3A_26 = arith.constant 0 : i32
      %dma_wait3A_27 = tpu.memref_slice %arg9[%dma_wait3A, %dma_wait3A_26] : memref<512x128xf32, #tpu.memory_space<vmem>> -> memref<128x128xf32, #tpu.memory_space<vmem>>
      %dma_wait3A_28 = arith.constant 0 : i32
      %dma_wait3A_29 = arith.constant 0 : i32
      %dma_wait3A_30 = tpu.memref_slice %arg2[%dma_wait3A_28, %dma_wait3A_29] : memref<5000x128xf32, #tpu.memory_space<hbm>> -> memref<128x128xf32, #tpu.memory_space<hbm>>
      %dma_wait3A_31 = arith.constant 0 : i32
      %dma_wait3A_32 = arith.constant 0 : i32
      %dma_wait3A_33 = tpu.memref_slice %arg9[%dma_wait3A_31, %dma_wait3A_32] : memref<512x128xf32, #tpu.memory_space<vmem>> -> memref<128x128xf32, #tpu.memory_space<vmem>>
      %dma_wait3A_34 = arith.constant 0 : i32
      %dma_wait3A_35 = arith.constant 0 : i32
      %dma_wait3A_36 = tpu.memref_slice %arg2[%dma_wait3A_34, %dma_wait3A_35] : memref<5000x128xf32, #tpu.memory_space<hbm>> -> memref<128x128xf32, #tpu.memory_space<hbm>>
      tpu.wait_dma2 semaphore(%arg12 : memref<!tpu.dma_semaphore, #tpu.memory_space<semaphore_mem>>) src(%dma_wait3A_36 : memref<128x128xf32, #tpu.memory_space<hbm>>) dst(%dma_wait3A_33 : memref<128x128xf32, #tpu.memory_space<vmem>>)
      %scan3A_37 = arith.constant 0 : i32
      scf.yield %scan3A_37 : i32
    }
    %scan3A_22 = arith.constant 2 : i32
    %barrier3A_23 = arith.constant 0 : index
    tpu.barrier barrier_id(%barrier3A_23)
    "tpu.region"() ({
      %run_scoped3A = tpu.sem_alloc : memref<!tpu.dma_semaphore, #tpu.memory_space<semaphore_mem>>
      %dma_start3A = arith.constant 0 : i32
      %dma_start3A_24 = tpu.memref_slice %arg6[%arg0, %mul3A_2, %dma_start3A] : memref<2x1024x128xf32, #tpu.memory_space<hbm>> -> memref<1x64x128xf32, #tpu.memory_space<hbm>>
      %dma_start3A_25 = tpu.memref_squeeze %dma_start3A_24 : memref<1x64x128xf32, #tpu.memory_space<hbm>> -> memref<64x128xf32, #tpu.memory_space<hbm>>
      %dma_start3A_26 = arith.constant 0 : i32
      %dma_start3A_27 = tpu.memref_slice %arg10[%mul3A_2, %dma_start3A_26] : memref<1024x128xf32, #tpu.memory_space<vmem_shared>> -> memref<64x128xf32, #tpu.memory_space<vmem_shared>>
      tpu.enqueue_dma source(%dma_start3A_27 : memref<64x128xf32, #tpu.memory_space<vmem_shared>>) target(%dma_start3A_25 : memref<64x128xf32, #tpu.memory_space<hbm>>) target_semaphore(%run_scoped3A : memref<!tpu.dma_semaphore, #tpu.memory_space<semaphore_mem>>)
      %dma_wait3A = arith.constant 0 : i32
      %dma_wait3A_28 = tpu.memref_slice %arg6[%arg0, %mul3A_2, %dma_wait3A] : memref<2x1024x128xf32, #tpu.memory_space<hbm>> -> memref<1x64x128xf32, #tpu.memory_space<hbm>>
      %dma_wait3A_29 = tpu.memref_squeeze %dma_wait3A_28 : memref<1x64x128xf32, #tpu.memory_space<hbm>> -> memref<64x128xf32, #tpu.memory_space<hbm>>
      %dma_wait3A_30 = arith.constant 0 : i32
      %dma_wait3A_31 = tpu.memref_slice %arg10[%mul3A_2, %dma_wait3A_30] : memref<1024x128xf32, #tpu.memory_space<vmem_shared>> -> memref<64x128xf32, #tpu.memory_space<vmem_shared>>
      tpu.wait_dma2 semaphore(%run_scoped3A : memref<!tpu.dma_semaphore, #tpu.memory_space<semaphore_mem>>) src(%dma_wait3A_31 : memref<64x128xf32, #tpu.memory_space<vmem_shared>>) dst(%dma_wait3A_29 : memref<64x128xf32, #tpu.memory_space<hbm>>)
      tpu.yield
    }) : () -> ()
    return
  }
}

#map = affine_map<(d0, d1) -> (0, 0)>
#map1 = affine_map<(d0, d1) -> (0, 0, 0)>
module attributes {stable_mosaic.version = 14 : i64} {
  func.func @seg_sum(%arg0: i32, %arg1: i32, %arg2: memref<10000x128xf32, #tpu.memory_space<hbm>>, %arg3: memref<32x40x128xi32, #tpu.memory_space<hbm>>, %arg4: memref<32x40x128xi32, #tpu.memory_space<hbm>>, %arg5: memref<16x128xf32, #tpu.memory_space<hbm>>, %arg6: memref<2x5120x128xf32, #tpu.memory_space<hbm>>, %arg7: memref<40x128xi32, #tpu.memory_space<vmem>>, %arg8: memref<40x128xi32, #tpu.memory_space<vmem>>, %arg9: memref<512x128xf32, #tpu.memory_space<vmem>>, %arg10: memref<5120x128xf32, #tpu.memory_space<vmem_shared>>, %arg11: memref<!tpu.dma_semaphore, #tpu.memory_space<semaphore_mem>>, %arg12: memref<!tpu.dma_semaphore, #tpu.memory_space<semaphore_mem>>) attributes {dimension_semantics = [#tpu.dimension_semantics<core_parallel>, #tpu.dimension_semantics<subcore_parallel>], iteration_bounds = array<i64: 2, 16>, scalar_prefetch = 0 : i64, scratch_operands = 6 : i64, tpu.core_type = #tpu.core_type<sc_vector_subcore>, window_params = [{transform_indices = #map}, {transform_indices = #map1}, {transform_indices = #map1}, {transform_indices = #map}, {transform_indices = #map1}]} {
    %mul3A = arith.constant 2 : i32
    %mul3A_0 = arith.muli %arg1, %mul3A : i32
    %add3A = arith.addi %mul3A_0, %arg0 : i32
    %mul3A_1 = arith.constant 320 : i32
    %mul3A_2 = arith.muli %arg1, %mul3A_1 : i32
    %scan3A = arith.constant 0 : i32
    %scan3A_3 = arith.constant 0 : i32
    %scan3A_4 = arith.constant 20 : i32
    %scan3A_5 = arith.addi %scan3A_3, %scan3A_4 : i32
    %scan3A_6 = arith.constant 1 : i32
    %scan3A_7 = scf.for %scan3A_24 = %scan3A_3 to %scan3A_5 step %scan3A_6 iter_args(%scan3A_25 = %scan3A) -> (i32)  : i32 {
      %mul3A_26 = arith.constant 16 : i32
      %mul3A_27 = arith.muli %scan3A_24, %mul3A_26 : i32
      %add3A_28 = arith.addi %mul3A_2, %mul3A_27 : i32
      "tpu.region"() ({
        %run_scoped3A = tpu.sem_alloc : memref<!tpu.dma_semaphore, #tpu.memory_space<semaphore_mem>>
        %dma_start3A = arith.constant 0 : i32
        %dma_start3A_30 = tpu.memref_slice %arg10[%add3A_28, %dma_start3A] : memref<5120x128xf32, #tpu.memory_space<vmem_shared>> -> memref<16x128xf32, #tpu.memory_space<vmem_shared>>
        tpu.enqueue_dma source(%arg5 : memref<16x128xf32, #tpu.memory_space<hbm>>) target(%dma_start3A_30 : memref<16x128xf32, #tpu.memory_space<vmem_shared>>) target_semaphore(%run_scoped3A : memref<!tpu.dma_semaphore, #tpu.memory_space<semaphore_mem>>)
        %dma_wait3A = arith.constant 0 : i32
        %dma_wait3A_31 = tpu.memref_slice %arg10[%add3A_28, %dma_wait3A] : memref<5120x128xf32, #tpu.memory_space<vmem_shared>> -> memref<16x128xf32, #tpu.memory_space<vmem_shared>>
        tpu.wait_dma2 semaphore(%run_scoped3A : memref<!tpu.dma_semaphore, #tpu.memory_space<semaphore_mem>>) src(%arg5 : memref<16x128xf32, #tpu.memory_space<hbm>>) dst(%dma_wait3A_31 : memref<16x128xf32, #tpu.memory_space<vmem_shared>>)
        tpu.yield
      }) : () -> ()
      %scan3A_29 = arith.constant 0 : i32
      scf.yield %scan3A_29 : i32
    }
    %scan3A_8 = arith.constant 20 : i32
    "tpu.region"() ({
      %run_scoped3A = tpu.sem_alloc : memref<!tpu.dma_semaphore, #tpu.memory_space<semaphore_mem>>
      %dma_start3A = arith.constant 0 : i32
      %dma_start3A_24 = arith.constant 0 : i32
      %dma_start3A_25 = tpu.memref_slice %arg3[%add3A, %dma_start3A, %dma_start3A_24] : memref<32x40x128xi32, #tpu.memory_space<hbm>> -> memref<1x40x128xi32, #tpu.memory_space<hbm>>
      %dma_start3A_26 = tpu.memref_squeeze %dma_start3A_25 : memref<1x40x128xi32, #tpu.memory_space<hbm>> -> memref<40x128xi32, #tpu.memory_space<hbm>>
      %dma_start3A_27 = arith.constant 0 : i32
      %dma_start3A_28 = arith.constant 0 : i32
      %dma_start3A_29 = tpu.memref_slice %arg3[%add3A, %dma_start3A_27, %dma_start3A_28] : memref<32x40x128xi32, #tpu.memory_space<hbm>> -> memref<1x40x128xi32, #tpu.memory_space<hbm>>
      %dma_start3A_30 = tpu.memref_squeeze %dma_start3A_29 : memref<1x40x128xi32, #tpu.memory_space<hbm>> -> memref<40x128xi32, #tpu.memory_space<hbm>>
      tpu.enqueue_dma source(%dma_start3A_30 : memref<40x128xi32, #tpu.memory_space<hbm>>) target(%arg7 : memref<40x128xi32, #tpu.memory_space<vmem>>) target_semaphore(%run_scoped3A : memref<!tpu.dma_semaphore, #tpu.memory_space<semaphore_mem>>)
      %dma_wait3A = arith.constant 0 : i32
      %dma_wait3A_31 = arith.constant 0 : i32
      %dma_wait3A_32 = tpu.memref_slice %arg3[%add3A, %dma_wait3A, %dma_wait3A_31] : memref<32x40x128xi32, #tpu.memory_space<hbm>> -> memref<1x40x128xi32, #tpu.memory_space<hbm>>
      %dma_wait3A_33 = tpu.memref_squeeze %dma_wait3A_32 : memref<1x40x128xi32, #tpu.memory_space<hbm>> -> memref<40x128xi32, #tpu.memory_space<hbm>>
      %dma_wait3A_34 = arith.constant 0 : i32
      %dma_wait3A_35 = arith.constant 0 : i32
      %dma_wait3A_36 = tpu.memref_slice %arg3[%add3A, %dma_wait3A_34, %dma_wait3A_35] : memref<32x40x128xi32, #tpu.memory_space<hbm>> -> memref<1x40x128xi32, #tpu.memory_space<hbm>>
      %dma_wait3A_37 = tpu.memref_squeeze %dma_wait3A_36 : memref<1x40x128xi32, #tpu.memory_space<hbm>> -> memref<40x128xi32, #tpu.memory_space<hbm>>
      tpu.wait_dma2 semaphore(%run_scoped3A : memref<!tpu.dma_semaphore, #tpu.memory_space<semaphore_mem>>) src(%dma_wait3A_37 : memref<40x128xi32, #tpu.memory_space<hbm>>) dst(%arg7 : memref<40x128xi32, #tpu.memory_space<vmem>>)
      tpu.yield
    }) : () -> ()
    "tpu.region"() ({
      %run_scoped3A = tpu.sem_alloc : memref<!tpu.dma_semaphore, #tpu.memory_space<semaphore_mem>>
      %dma_start3A = arith.constant 0 : i32
      %dma_start3A_24 = arith.constant 0 : i32
      %dma_start3A_25 = tpu.memref_slice %arg4[%add3A, %dma_start3A, %dma_start3A_24] : memref<32x40x128xi32, #tpu.memory_space<hbm>> -> memref<1x40x128xi32, #tpu.memory_space<hbm>>
      %dma_start3A_26 = tpu.memref_squeeze %dma_start3A_25 : memref<1x40x128xi32, #tpu.memory_space<hbm>> -> memref<40x128xi32, #tpu.memory_space<hbm>>
      %dma_start3A_27 = arith.constant 0 : i32
      %dma_start3A_28 = arith.constant 0 : i32
      %dma_start3A_29 = tpu.memref_slice %arg4[%add3A, %dma_start3A_27, %dma_start3A_28] : memref<32x40x128xi32, #tpu.memory_space<hbm>> -> memref<1x40x128xi32, #tpu.memory_space<hbm>>
      %dma_start3A_30 = tpu.memref_squeeze %dma_start3A_29 : memref<1x40x128xi32, #tpu.memory_space<hbm>> -> memref<40x128xi32, #tpu.memory_space<hbm>>
      tpu.enqueue_dma source(%dma_start3A_30 : memref<40x128xi32, #tpu.memory_space<hbm>>) target(%arg8 : memref<40x128xi32, #tpu.memory_space<vmem>>) target_semaphore(%run_scoped3A : memref<!tpu.dma_semaphore, #tpu.memory_space<semaphore_mem>>)
      %dma_wait3A = arith.constant 0 : i32
      %dma_wait3A_31 = arith.constant 0 : i32
      %dma_wait3A_32 = tpu.memref_slice %arg4[%add3A, %dma_wait3A, %dma_wait3A_31] : memref<32x40x128xi32, #tpu.memory_space<hbm>> -> memref<1x40x128xi32, #tpu.memory_space<hbm>>
      %dma_wait3A_33 = tpu.memref_squeeze %dma_wait3A_32 : memref<1x40x128xi32, #tpu.memory_space<hbm>> -> memref<40x128xi32, #tpu.memory_space<hbm>>
      %dma_wait3A_34 = arith.constant 0 : i32
      %dma_wait3A_35 = arith.constant 0 : i32
      %dma_wait3A_36 = tpu.memref_slice %arg4[%add3A, %dma_wait3A_34, %dma_wait3A_35] : memref<32x40x128xi32, #tpu.memory_space<hbm>> -> memref<1x40x128xi32, #tpu.memory_space<hbm>>
      %dma_wait3A_37 = tpu.memref_squeeze %dma_wait3A_36 : memref<1x40x128xi32, #tpu.memory_space<hbm>> -> memref<40x128xi32, #tpu.memory_space<hbm>>
      tpu.wait_dma2 semaphore(%run_scoped3A : memref<!tpu.dma_semaphore, #tpu.memory_space<semaphore_mem>>) src(%dma_wait3A_37 : memref<40x128xi32, #tpu.memory_space<hbm>>) dst(%arg8 : memref<40x128xi32, #tpu.memory_space<vmem>>)
      tpu.yield
    }) : () -> ()
    %barrier3A = arith.constant 0 : index
    tpu.barrier barrier_id(%barrier3A)
    %scan3A_9 = arith.constant 0 : i32
    %scan3A_10 = arith.constant 0 : i32
    %scan3A_11 = arith.constant 42 : i32
    %scan3A_12 = arith.addi %scan3A_10, %scan3A_11 : i32
    %scan3A_13 = arith.constant 1 : i32
    %scan3A_14 = scf.for %scan3A_24 = %scan3A_10 to %scan3A_12 step %scan3A_13 iter_args(%scan3A_25 = %scan3A_9) -> (i32)  : i32 {
      %ge3A = arith.constant 2 : i32
      %ge3A_26 = arith.cmpi sge, %scan3A_24, %ge3A : i32
      %lt3A = arith.constant 42 : i32
      %lt3A_27 = arith.cmpi slt, %scan3A_24, %lt3A : i32
      %and3A = arith.andi %ge3A_26, %lt3A_27 : i1
      %convert_element_type3A = arith.extui %and3A : i1 to i32
      %cond3A = arith.constant 0 : i32
      %cond3A_28 = arith.cmpi ne, %convert_element_type3A, %cond3A : i32
      scf.if %cond3A_28 {
        %dma_wait3A = arith.constant 0 : i32
        %dma_wait3A_40 = arith.constant 0 : i32
        %dma_wait3A_41 = tpu.memref_slice %arg9[%dma_wait3A, %dma_wait3A_40] : memref<512x128xf32, #tpu.memory_space<vmem>> -> memref<128x128xf32, #tpu.memory_space<vmem>>
        %dma_wait3A_42 = arith.constant 0 : i32
        %dma_wait3A_43 = arith.constant 0 : i32
        %dma_wait3A_44 = tpu.memref_slice %arg2[%dma_wait3A_42, %dma_wait3A_43] : memref<10000x128xf32, #tpu.memory_space<hbm>> -> memref<128x128xf32, #tpu.memory_space<hbm>>
        %dma_wait3A_45 = arith.constant 0 : i32
        %dma_wait3A_46 = arith.constant 0 : i32
        %dma_wait3A_47 = tpu.memref_slice %arg9[%dma_wait3A_45, %dma_wait3A_46] : memref<512x128xf32, #tpu.memory_space<vmem>> -> memref<128x128xf32, #tpu.memory_space<vmem>>
        %dma_wait3A_48 = arith.constant 0 : i32
        %dma_wait3A_49 = arith.constant 0 : i32
        %dma_wait3A_50 = tpu.memref_slice %arg2[%dma_wait3A_48, %dma_wait3A_49] : memref<10000x128xf32, #tpu.memory_space<hbm>> -> memref<128x128xf32, #tpu.memory_space<hbm>>
        tpu.wait_dma2 semaphore(%arg11 : memref<!tpu.dma_semaphore, #tpu.memory_space<semaphore_mem>>) src(%dma_wait3A_50 : memref<128x128xf32, #tpu.memory_space<hbm>>) dst(%dma_wait3A_47 : memref<128x128xf32, #tpu.memory_space<vmem>>)
        %sub3A = arith.constant 2 : i32
        %sub3A_51 = arith.subi %scan3A_24, %sub3A : i32
        %rem3A = arith.constant 4 : i32
        %rem3A_52 = arith.remsi %sub3A_51, %rem3A : i32
        %mul3A_53 = arith.constant 128 : i32
        %mul3A_54 = arith.muli %rem3A_52, %mul3A_53 : i32
        %dma_start3A = arith.constant 0 : i32
        %dma_start3A_55 = tpu.memref_slice %arg9[%mul3A_54, %dma_start3A] : memref<512x128xf32, #tpu.memory_space<vmem>> -> memref<128x128xf32, #tpu.memory_space<vmem>>
        %dma_start3A_56 = arith.constant 0 : i32
        %dma_start3A_57 = tpu.memref_slice %arg8[%sub3A_51, %dma_start3A_56] : memref<40x128xi32, #tpu.memory_space<vmem>> -> memref<1x128xi32, #tpu.memory_space<vmem>>
        %dma_start3A_58 = tpu.memref_squeeze %dma_start3A_57 : memref<1x128xi32, #tpu.memory_space<vmem>> -> memref<128xi32, #tpu.memory_space<vmem>>
        %dma_start3A_59 = arith.constant 0 : i32
        %dma_start3A_60 = arith.constant 0 : i32
        %dma_start3A_61 = tpu.memref_slice %arg10[%dma_start3A_59, %dma_start3A_60] : memref<5120x128xf32, #tpu.memory_space<vmem_shared>> -> memref<5120x128xf32, #tpu.memory_space<vmem_shared>>
        tpu.enqueue_indirect_dma source(%dma_start3A_55 : memref<128x128xf32, #tpu.memory_space<vmem>>) target(%dma_start3A_61 : memref<5120x128xf32, #tpu.memory_space<vmem_shared>>) offsets(%dma_start3A_58 : memref<128xi32, #tpu.memory_space<vmem>>) semaphore(%arg12 : memref<!tpu.dma_semaphore, #tpu.memory_space<semaphore_mem>>) {add = true}
      } else {
      }
      %ge3A_29 = arith.constant 4 : i32
      %ge3A_30 = arith.cmpi sge, %scan3A_24, %ge3A_29 : i32
      %convert_element_type3A_31 = arith.extui %ge3A_30 : i1 to i32
      %cond3A_32 = arith.constant 0 : i32
      %cond3A_33 = arith.cmpi ne, %convert_element_type3A_31, %cond3A_32 : i32
      scf.if %cond3A_33 {
        %dma_wait3A = arith.constant 0 : i32
        %dma_wait3A_40 = arith.constant 0 : i32
        %dma_wait3A_41 = tpu.memref_slice %arg9[%dma_wait3A, %dma_wait3A_40] : memref<512x128xf32, #tpu.memory_space<vmem>> -> memref<128x128xf32, #tpu.memory_space<vmem>>
        %dma_wait3A_42 = arith.constant 0 : i32
        %dma_wait3A_43 = arith.constant 0 : i32
        %dma_wait3A_44 = tpu.memref_slice %arg2[%dma_wait3A_42, %dma_wait3A_43] : memref<10000x128xf32, #tpu.memory_space<hbm>> -> memref<128x128xf32, #tpu.memory_space<hbm>>
        %dma_wait3A_45 = arith.constant 0 : i32
        %dma_wait3A_46 = arith.constant 0 : i32
        %dma_wait3A_47 = tpu.memref_slice %arg9[%dma_wait3A_45, %dma_wait3A_46] : memref<512x128xf32, #tpu.memory_space<vmem>> -> memref<128x128xf32, #tpu.memory_space<vmem>>
        %dma_wait3A_48 = arith.constant 0 : i32
        %dma_wait3A_49 = arith.constant 0 : i32
        %dma_wait3A_50 = tpu.memref_slice %arg2[%dma_wait3A_48, %dma_wait3A_49] : memref<10000x128xf32, #tpu.memory_space<hbm>> -> memref<128x128xf32, #tpu.memory_space<hbm>>
        tpu.wait_dma2 semaphore(%arg12 : memref<!tpu.dma_semaphore, #tpu.memory_space<semaphore_mem>>) src(%dma_wait3A_50 : memref<128x128xf32, #tpu.memory_space<hbm>>) dst(%dma_wait3A_47 : memref<128x128xf32, #tpu.memory_space<vmem>>)
      } else {
      }
      %lt3A_34 = arith.constant 40 : i32
      %lt3A_35 = arith.cmpi slt, %scan3A_24, %lt3A_34 : i32
      %convert_element_type3A_36 = arith.extui %lt3A_35 : i1 to i32
      %cond3A_37 = arith.constant 0 : i32
      %cond3A_38 = arith.cmpi ne, %convert_element_type3A_36, %cond3A_37 : i32
      scf.if %cond3A_38 {
        %rem3A = arith.constant 4 : i32
        %rem3A_40 = arith.remsi %scan3A_24, %rem3A : i32
        %mul3A_41 = arith.constant 128 : i32
        %mul3A_42 = arith.muli %rem3A_40, %mul3A_41 : i32
        %dma_start3A = arith.constant 0 : i32
        %dma_start3A_43 = tpu.memref_slice %arg9[%mul3A_42, %dma_start3A] : memref<512x128xf32, #tpu.memory_space<vmem>> -> memref<128x128xf32, #tpu.memory_space<vmem>>
        %dma_start3A_44 = arith.constant 0 : i32
        %dma_start3A_45 = tpu.memref_slice %arg7[%scan3A_24, %dma_start3A_44] : memref<40x128xi32, #tpu.memory_space<vmem>> -> memref<1x128xi32, #tpu.memory_space<vmem>>
        %dma_start3A_46 = tpu.memref_squeeze %dma_start3A_45 : memref<1x128xi32, #tpu.memory_space<vmem>> -> memref<128xi32, #tpu.memory_space<vmem>>
        %dma_start3A_47 = arith.constant 0 : i32
        %dma_start3A_48 = arith.constant 0 : i32
        %dma_start3A_49 = tpu.memref_slice %arg2[%dma_start3A_47, %dma_start3A_48] : memref<10000x128xf32, #tpu.memory_space<hbm>> -> memref<10000x128xf32, #tpu.memory_space<hbm>>
        tpu.enqueue_indirect_dma source(%dma_start3A_49 : memref<10000x128xf32, #tpu.memory_space<hbm>>) target(%dma_start3A_43 : memref<128x128xf32, #tpu.memory_space<vmem>>) offsets(%dma_start3A_46 : memref<128xi32, #tpu.memory_space<vmem>>) semaphore(%arg11 : memref<!tpu.dma_semaphore, #tpu.memory_space<semaphore_mem>>)
      } else {
      }
      %scan3A_39 = arith.constant 0 : i32
      scf.yield %scan3A_39 : i32
    }
    %scan3A_15 = arith.constant 42 : i32
    %scan3A_16 = arith.constant 0 : i32
    %scan3A_17 = arith.constant 0 : i32
    %scan3A_18 = arith.constant 2 : i32
    %scan3A_19 = arith.addi %scan3A_17, %scan3A_18 : i32
    %scan3A_20 = arith.constant 1 : i32
    %scan3A_21 = scf.for %scan3A_24 = %scan3A_17 to %scan3A_19 step %scan3A_20 iter_args(%scan3A_25 = %scan3A_16) -> (i32)  : i32 {
      %dma_wait3A = arith.constant 0 : i32
      %dma_wait3A_26 = arith.constant 0 : i32
      %dma_wait3A_27 = tpu.memref_slice %arg9[%dma_wait3A, %dma_wait3A_26] : memref<512x128xf32, #tpu.memory_space<vmem>> -> memref<128x128xf32, #tpu.memory_space<vmem>>
      %dma_wait3A_28 = arith.constant 0 : i32
      %dma_wait3A_29 = arith.constant 0 : i32
      %dma_wait3A_30 = tpu.memref_slice %arg2[%dma_wait3A_28, %dma_wait3A_29] : memref<10000x128xf32, #tpu.memory_space<hbm>> -> memref<128x128xf32, #tpu.memory_space<hbm>>
      %dma_wait3A_31 = arith.constant 0 : i32
      %dma_wait3A_32 = arith.constant 0 : i32
      %dma_wait3A_33 = tpu.memref_slice %arg9[%dma_wait3A_31, %dma_wait3A_32] : memref<512x128xf32, #tpu.memory_space<vmem>> -> memref<128x128xf32, #tpu.memory_space<vmem>>
      %dma_wait3A_34 = arith.constant 0 : i32
      %dma_wait3A_35 = arith.constant 0 : i32
      %dma_wait3A_36 = tpu.memref_slice %arg2[%dma_wait3A_34, %dma_wait3A_35] : memref<10000x128xf32, #tpu.memory_space<hbm>> -> memref<128x128xf32, #tpu.memory_space<hbm>>
      tpu.wait_dma2 semaphore(%arg12 : memref<!tpu.dma_semaphore, #tpu.memory_space<semaphore_mem>>) src(%dma_wait3A_36 : memref<128x128xf32, #tpu.memory_space<hbm>>) dst(%dma_wait3A_33 : memref<128x128xf32, #tpu.memory_space<vmem>>)
      %scan3A_37 = arith.constant 0 : i32
      scf.yield %scan3A_37 : i32
    }
    %scan3A_22 = arith.constant 2 : i32
    %barrier3A_23 = arith.constant 0 : index
    tpu.barrier barrier_id(%barrier3A_23)
    "tpu.region"() ({
      %run_scoped3A = tpu.sem_alloc : memref<!tpu.dma_semaphore, #tpu.memory_space<semaphore_mem>>
      %dma_start3A = arith.constant 0 : i32
      %dma_start3A_24 = tpu.memref_slice %arg6[%arg0, %mul3A_2, %dma_start3A] : memref<2x5120x128xf32, #tpu.memory_space<hbm>> -> memref<1x320x128xf32, #tpu.memory_space<hbm>>
      %dma_start3A_25 = tpu.memref_squeeze %dma_start3A_24 : memref<1x320x128xf32, #tpu.memory_space<hbm>> -> memref<320x128xf32, #tpu.memory_space<hbm>>
      %dma_start3A_26 = arith.constant 0 : i32
      %dma_start3A_27 = tpu.memref_slice %arg10[%mul3A_2, %dma_start3A_26] : memref<5120x128xf32, #tpu.memory_space<vmem_shared>> -> memref<320x128xf32, #tpu.memory_space<vmem_shared>>
      tpu.enqueue_dma source(%dma_start3A_27 : memref<320x128xf32, #tpu.memory_space<vmem_shared>>) target(%dma_start3A_25 : memref<320x128xf32, #tpu.memory_space<hbm>>) target_semaphore(%run_scoped3A : memref<!tpu.dma_semaphore, #tpu.memory_space<semaphore_mem>>)
      %dma_wait3A = arith.constant 0 : i32
      %dma_wait3A_28 = tpu.memref_slice %arg6[%arg0, %mul3A_2, %dma_wait3A] : memref<2x5120x128xf32, #tpu.memory_space<hbm>> -> memref<1x320x128xf32, #tpu.memory_space<hbm>>
      %dma_wait3A_29 = tpu.memref_squeeze %dma_wait3A_28 : memref<1x320x128xf32, #tpu.memory_space<hbm>> -> memref<320x128xf32, #tpu.memory_space<hbm>>
      %dma_wait3A_30 = arith.constant 0 : i32
      %dma_wait3A_31 = tpu.memref_slice %arg10[%mul3A_2, %dma_wait3A_30] : memref<5120x128xf32, #tpu.memory_space<vmem_shared>> -> memref<320x128xf32, #tpu.memory_space<vmem_shared>>
      tpu.wait_dma2 semaphore(%run_scoped3A : memref<!tpu.dma_semaphore, #tpu.memory_space<semaphore_mem>>) src(%dma_wait3A_31 : memref<320x128xf32, #tpu.memory_space<vmem_shared>>) dst(%dma_wait3A_29 : memref<320x128xf32, #tpu.memory_space<hbm>>)
      tpu.yield
    }) : () -> ()
    return
  }
}

#map = affine_map<(d0, d1) -> (0, 0, 0)>
#map1 = affine_map<(d0, d1) -> (0, 0)>
module attributes {stable_mosaic.version = 14 : i64} {
  func.func @cnt(%arg0: i32, %arg1: i32, %arg2: memref<32x40x128xi32, #tpu.memory_space<hbm>>, %arg3: memref<16x128xf32, #tpu.memory_space<hbm>>, %arg4: memref<128x128xf32, #tpu.memory_space<hbm>>, %arg5: memref<2x5120x128xf32, #tpu.memory_space<hbm>>, %arg6: memref<40x128xi32, #tpu.memory_space<vmem>>, %arg7: memref<128x128xf32, #tpu.memory_space<vmem>>, %arg8: memref<5120x128xf32, #tpu.memory_space<vmem_shared>>, %arg9: memref<!tpu.dma_semaphore, #tpu.memory_space<semaphore_mem>>) attributes {dimension_semantics = [#tpu.dimension_semantics<core_parallel>, #tpu.dimension_semantics<subcore_parallel>], iteration_bounds = array<i64: 2, 16>, scalar_prefetch = 0 : i64, scratch_operands = 4 : i64, tpu.core_type = #tpu.core_type<sc_vector_subcore>, window_params = [{transform_indices = #map}, {transform_indices = #map1}, {transform_indices = #map1}, {transform_indices = #map}]} {
    %mul3A = arith.constant 2 : i32
    %mul3A_0 = arith.muli %arg1, %mul3A : i32
    %add3A = arith.addi %mul3A_0, %arg0 : i32
    %mul3A_1 = arith.constant 320 : i32
    %mul3A_2 = arith.muli %arg1, %mul3A_1 : i32
    %scan3A = arith.constant 0 : i32
    %scan3A_3 = arith.constant 0 : i32
    %scan3A_4 = arith.constant 20 : i32
    %scan3A_5 = arith.addi %scan3A_3, %scan3A_4 : i32
    %scan3A_6 = arith.constant 1 : i32
    %scan3A_7 = scf.for %scan3A_24 = %scan3A_3 to %scan3A_5 step %scan3A_6 iter_args(%scan3A_25 = %scan3A) -> (i32)  : i32 {
      %mul3A_26 = arith.constant 16 : i32
      %mul3A_27 = arith.muli %scan3A_24, %mul3A_26 : i32
      %add3A_28 = arith.addi %mul3A_2, %mul3A_27 : i32
      "tpu.region"() ({
        %run_scoped3A = tpu.sem_alloc : memref<!tpu.dma_semaphore, #tpu.memory_space<semaphore_mem>>
        %dma_start3A = arith.constant 0 : i32
        %dma_start3A_30 = tpu.memref_slice %arg8[%add3A_28, %dma_start3A] : memref<5120x128xf32, #tpu.memory_space<vmem_shared>> -> memref<16x128xf32, #tpu.memory_space<vmem_shared>>
        tpu.enqueue_dma source(%arg3 : memref<16x128xf32, #tpu.memory_space<hbm>>) target(%dma_start3A_30 : memref<16x128xf32, #tpu.memory_space<vmem_shared>>) target_semaphore(%run_scoped3A : memref<!tpu.dma_semaphore, #tpu.memory_space<semaphore_mem>>)
        %dma_wait3A = arith.constant 0 : i32
        %dma_wait3A_31 = tpu.memref_slice %arg8[%add3A_28, %dma_wait3A] : memref<5120x128xf32, #tpu.memory_space<vmem_shared>> -> memref<16x128xf32, #tpu.memory_space<vmem_shared>>
        tpu.wait_dma2 semaphore(%run_scoped3A : memref<!tpu.dma_semaphore, #tpu.memory_space<semaphore_mem>>) src(%arg3 : memref<16x128xf32, #tpu.memory_space<hbm>>) dst(%dma_wait3A_31 : memref<16x128xf32, #tpu.memory_space<vmem_shared>>)
        tpu.yield
      }) : () -> ()
      %scan3A_29 = arith.constant 0 : i32
      scf.yield %scan3A_29 : i32
    }
    %scan3A_8 = arith.constant 20 : i32
    "tpu.region"() ({
      %run_scoped3A = tpu.sem_alloc : memref<!tpu.dma_semaphore, #tpu.memory_space<semaphore_mem>>
      %dma_start3A = arith.constant 0 : i32
      %dma_start3A_24 = arith.constant 0 : i32
      %dma_start3A_25 = tpu.memref_slice %arg2[%add3A, %dma_start3A, %dma_start3A_24] : memref<32x40x128xi32, #tpu.memory_space<hbm>> -> memref<1x40x128xi32, #tpu.memory_space<hbm>>
      %dma_start3A_26 = tpu.memref_squeeze %dma_start3A_25 : memref<1x40x128xi32, #tpu.memory_space<hbm>> -> memref<40x128xi32, #tpu.memory_space<hbm>>
      %dma_start3A_27 = arith.constant 0 : i32
      %dma_start3A_28 = arith.constant 0 : i32
      %dma_start3A_29 = tpu.memref_slice %arg2[%add3A, %dma_start3A_27, %dma_start3A_28] : memref<32x40x128xi32, #tpu.memory_space<hbm>> -> memref<1x40x128xi32, #tpu.memory_space<hbm>>
      %dma_start3A_30 = tpu.memref_squeeze %dma_start3A_29 : memref<1x40x128xi32, #tpu.memory_space<hbm>> -> memref<40x128xi32, #tpu.memory_space<hbm>>
      tpu.enqueue_dma source(%dma_start3A_30 : memref<40x128xi32, #tpu.memory_space<hbm>>) target(%arg6 : memref<40x128xi32, #tpu.memory_space<vmem>>) target_semaphore(%run_scoped3A : memref<!tpu.dma_semaphore, #tpu.memory_space<semaphore_mem>>)
      %dma_wait3A = arith.constant 0 : i32
      %dma_wait3A_31 = arith.constant 0 : i32
      %dma_wait3A_32 = tpu.memref_slice %arg2[%add3A, %dma_wait3A, %dma_wait3A_31] : memref<32x40x128xi32, #tpu.memory_space<hbm>> -> memref<1x40x128xi32, #tpu.memory_space<hbm>>
      %dma_wait3A_33 = tpu.memref_squeeze %dma_wait3A_32 : memref<1x40x128xi32, #tpu.memory_space<hbm>> -> memref<40x128xi32, #tpu.memory_space<hbm>>
      %dma_wait3A_34 = arith.constant 0 : i32
      %dma_wait3A_35 = arith.constant 0 : i32
      %dma_wait3A_36 = tpu.memref_slice %arg2[%add3A, %dma_wait3A_34, %dma_wait3A_35] : memref<32x40x128xi32, #tpu.memory_space<hbm>> -> memref<1x40x128xi32, #tpu.memory_space<hbm>>
      %dma_wait3A_37 = tpu.memref_squeeze %dma_wait3A_36 : memref<1x40x128xi32, #tpu.memory_space<hbm>> -> memref<40x128xi32, #tpu.memory_space<hbm>>
      tpu.wait_dma2 semaphore(%run_scoped3A : memref<!tpu.dma_semaphore, #tpu.memory_space<semaphore_mem>>) src(%dma_wait3A_37 : memref<40x128xi32, #tpu.memory_space<hbm>>) dst(%arg6 : memref<40x128xi32, #tpu.memory_space<vmem>>)
      tpu.yield
    }) : () -> ()
    "tpu.region"() ({
      %run_scoped3A = tpu.sem_alloc : memref<!tpu.dma_semaphore, #tpu.memory_space<semaphore_mem>>
      tpu.enqueue_dma source(%arg4 : memref<128x128xf32, #tpu.memory_space<hbm>>) target(%arg7 : memref<128x128xf32, #tpu.memory_space<vmem>>) target_semaphore(%run_scoped3A : memref<!tpu.dma_semaphore, #tpu.memory_space<semaphore_mem>>)
      tpu.wait_dma2 semaphore(%run_scoped3A : memref<!tpu.dma_semaphore, #tpu.memory_space<semaphore_mem>>) src(%arg4 : memref<128x128xf32, #tpu.memory_space<hbm>>) dst(%arg7 : memref<128x128xf32, #tpu.memory_space<vmem>>)
      tpu.yield
    }) : () -> ()
    %barrier3A = arith.constant 0 : index
    tpu.barrier barrier_id(%barrier3A)
    %scan3A_9 = arith.constant 0 : i32
    %scan3A_10 = arith.constant 0 : i32
    %scan3A_11 = arith.constant 40 : i32
    %scan3A_12 = arith.addi %scan3A_10, %scan3A_11 : i32
    %scan3A_13 = arith.constant 1 : i32
    %scan3A_14 = scf.for %scan3A_24 = %scan3A_10 to %scan3A_12 step %scan3A_13 iter_args(%scan3A_25 = %scan3A_9) -> (i32)  : i32 {
      %dma_start3A = arith.constant 0 : i32
      %dma_start3A_26 = tpu.memref_slice %arg6[%scan3A_24, %dma_start3A] : memref<40x128xi32, #tpu.memory_space<vmem>> -> memref<1x128xi32, #tpu.memory_space<vmem>>
      %dma_start3A_27 = tpu.memref_squeeze %dma_start3A_26 : memref<1x128xi32, #tpu.memory_space<vmem>> -> memref<128xi32, #tpu.memory_space<vmem>>
      %dma_start3A_28 = arith.constant 0 : i32
      %dma_start3A_29 = arith.constant 0 : i32
      %dma_start3A_30 = tpu.memref_slice %arg8[%dma_start3A_28, %dma_start3A_29] : memref<5120x128xf32, #tpu.memory_space<vmem_shared>> -> memref<5120x128xf32, #tpu.memory_space<vmem_shared>>
      tpu.enqueue_indirect_dma source(%arg7 : memref<128x128xf32, #tpu.memory_space<vmem>>) target(%dma_start3A_30 : memref<5120x128xf32, #tpu.memory_space<vmem_shared>>) offsets(%dma_start3A_27 : memref<128xi32, #tpu.memory_space<vmem>>) semaphore(%arg9 : memref<!tpu.dma_semaphore, #tpu.memory_space<semaphore_mem>>) {add = true}
      %scan3A_31 = arith.constant 0 : i32
      scf.yield %scan3A_31 : i32
    }
    %scan3A_15 = arith.constant 40 : i32
    %scan3A_16 = arith.constant 0 : i32
    %scan3A_17 = arith.constant 0 : i32
    %scan3A_18 = arith.constant 40 : i32
    %scan3A_19 = arith.addi %scan3A_17, %scan3A_18 : i32
    %scan3A_20 = arith.constant 1 : i32
    %scan3A_21 = scf.for %scan3A_24 = %scan3A_17 to %scan3A_19 step %scan3A_20 iter_args(%scan3A_25 = %scan3A_16) -> (i32)  : i32 {
      tpu.wait_dma2 semaphore(%arg9 : memref<!tpu.dma_semaphore, #tpu.memory_space<semaphore_mem>>) src(%arg4 : memref<128x128xf32, #tpu.memory_space<hbm>>) dst(%arg7 : memref<128x128xf32, #tpu.memory_space<vmem>>)
      %scan3A_26 = arith.constant 0 : i32
      scf.yield %scan3A_26 : i32
    }
    %scan3A_22 = arith.constant 40 : i32
    %barrier3A_23 = arith.constant 0 : index
    tpu.barrier barrier_id(%barrier3A_23)
    "tpu.region"() ({
      %run_scoped3A = tpu.sem_alloc : memref<!tpu.dma_semaphore, #tpu.memory_space<semaphore_mem>>
      %dma_start3A = arith.constant 0 : i32
      %dma_start3A_24 = tpu.memref_slice %arg5[%arg0, %mul3A_2, %dma_start3A] : memref<2x5120x128xf32, #tpu.memory_space<hbm>> -> memref<1x320x128xf32, #tpu.memory_space<hbm>>
      %dma_start3A_25 = tpu.memref_squeeze %dma_start3A_24 : memref<1x320x128xf32, #tpu.memory_space<hbm>> -> memref<320x128xf32, #tpu.memory_space<hbm>>
      %dma_start3A_26 = arith.constant 0 : i32
      %dma_start3A_27 = tpu.memref_slice %arg8[%mul3A_2, %dma_start3A_26] : memref<5120x128xf32, #tpu.memory_space<vmem_shared>> -> memref<320x128xf32, #tpu.memory_space<vmem_shared>>
      tpu.enqueue_dma source(%dma_start3A_27 : memref<320x128xf32, #tpu.memory_space<vmem_shared>>) target(%dma_start3A_25 : memref<320x128xf32, #tpu.memory_space<hbm>>) target_semaphore(%run_scoped3A : memref<!tpu.dma_semaphore, #tpu.memory_space<semaphore_mem>>)
      %dma_wait3A = arith.constant 0 : i32
      %dma_wait3A_28 = tpu.memref_slice %arg5[%arg0, %mul3A_2, %dma_wait3A] : memref<2x5120x128xf32, #tpu.memory_space<hbm>> -> memref<1x320x128xf32, #tpu.memory_space<hbm>>
      %dma_wait3A_29 = tpu.memref_squeeze %dma_wait3A_28 : memref<1x320x128xf32, #tpu.memory_space<hbm>> -> memref<320x128xf32, #tpu.memory_space<hbm>>
      %dma_wait3A_30 = arith.constant 0 : i32
      %dma_wait3A_31 = tpu.memref_slice %arg8[%mul3A_2, %dma_wait3A_30] : memref<5120x128xf32, #tpu.memory_space<vmem_shared>> -> memref<320x128xf32, #tpu.memory_space<vmem_shared>>
      tpu.wait_dma2 semaphore(%run_scoped3A : memref<!tpu.dma_semaphore, #tpu.memory_space<semaphore_mem>>) src(%dma_wait3A_31 : memref<320x128xf32, #tpu.memory_space<vmem_shared>>) dst(%dma_wait3A_29 : memref<320x128xf32, #tpu.memory_space<hbm>>)
      tpu.yield
    }) : () -> ()
    return
  }
}

module attributes {stable_mosaic.version = 14 : i64} {
  func.func @_dense0_body(%arg0: memref<2x5120x128xf32, #tpu.memory_space<vmem>>, %arg1: memref<2x5120x128xf32, #tpu.memory_space<vmem>>, %arg2: memref<5000x128xf32, #tpu.memory_space<vmem>>, %arg3: memref<128x128xf32, #tpu.memory_space<vmem>>, %arg4: memref<128x128xf32, #tpu.memory_space<vmem>>, %arg5: memref<128xf32, #tpu.memory_space<vmem>>, %arg6: memref<128x128xf32, #tpu.memory_space<vmem>>, %arg7: memref<5000x128xf32, #tpu.memory_space<vmem>>, %arg8: memref<5000x128xf32, #tpu.memory_space<vmem>>) attributes {dimension_semantics = [], scalar_prefetch = 0 : i64, scratch_operands = 0 : i64, tpu.core_type = #tpu.core_type<tc>} {
    %get3A = arith.constant 0 : index
    %get3A_0 = arith.constant 0 : index
    %get3A_1 = arith.constant 0 : index
    %get3A_2 = vector.load %arg0[%get3A, %get3A_0, %get3A_1] : memref<2x5120x128xf32, #tpu.memory_space<vmem>>, vector<1x5120x128xf32>
    %get3A_3 = vector.shape_cast %get3A_2 : vector<1x5120x128xf32> to vector<5120x128xf32>
    %get3A_4 = arith.constant 1 : index
    %get3A_5 = arith.constant 0 : index
    %get3A_6 = arith.constant 0 : index
    %get3A_7 = vector.load %arg0[%get3A_4, %get3A_5, %get3A_6] : memref<2x5120x128xf32, #tpu.memory_space<vmem>>, vector<1x5120x128xf32>
    %get3A_8 = vector.shape_cast %get3A_7 : vector<1x5120x128xf32> to vector<5120x128xf32>
    %add3A = arith.addf %get3A_3, %get3A_8 : vector<5120x128xf32>
    %get3A_9 = arith.constant 0 : index
    %get3A_10 = arith.constant 0 : index
    %get3A_11 = arith.constant 0 : index
    %get3A_12 = vector.load %arg1[%get3A_9, %get3A_10, %get3A_11] : memref<2x5120x128xf32, #tpu.memory_space<vmem>>, vector<1x5120x128xf32>
    %get3A_13 = vector.shape_cast %get3A_12 : vector<1x5120x128xf32> to vector<5120x128xf32>
    %get3A_14 = arith.constant 1 : index
    %get3A_15 = arith.constant 0 : index
    %get3A_16 = arith.constant 0 : index
    %get3A_17 = vector.load %arg1[%get3A_14, %get3A_15, %get3A_16] : memref<2x5120x128xf32, #tpu.memory_space<vmem>>, vector<1x5120x128xf32>
    %get3A_18 = vector.shape_cast %get3A_17 : vector<1x5120x128xf32> to vector<5120x128xf32>
    %add3A_19 = arith.addf %get3A_13, %get3A_18 : vector<5120x128xf32>
    %slice3A = vector.extract_strided_slice %add3A_19 {offsets = [0, 0], sizes = [5120, 1], strides = [1, 1]} : vector<5120x128xf32> to vector<5120x1xf32>
    %squeeze3A = vector.shape_cast %slice3A : vector<5120x1xf32> to vector<5120xf32>
    %max3A = arith.constant 1.000000e+00 : f32
    %max3A_20 = vector.broadcast %max3A : f32 to vector<5120xf32>
    %max3A_21 = arith.maximumf %squeeze3A, %max3A_20 : vector<5120xf32>
    %div3A = arith.constant 1.000000e+00 : f32
    %div3A_22 = vector.broadcast %div3A : f32 to vector<5120xf32>
    %div3A_23 = arith.divf %div3A_22, %max3A_21 : vector<5120xf32>
    %slice3A_24 = vector.extract_strided_slice %add3A {offsets = [0, 0], sizes = [5000, 128], strides = [1, 1]} : vector<5120x128xf32> to vector<5000x128xf32>
    %slice3A_25 = vector.extract_strided_slice %div3A_23 {offsets = [0], sizes = [5000], strides = [1]} : vector<5120xf32> to vector<5000xf32>
    %broadcast_in_dim3A = vector.shape_cast %slice3A_25 : vector<5000xf32> to vector<5000x1xf32>
    %mul3A = vector.broadcast %broadcast_in_dim3A : vector<5000x1xf32> to vector<5000x128xf32>
    %mul3A_26 = arith.mulf %slice3A_24, %mul3A : vector<5000x128xf32>
    %get3A_27 = arith.constant 0 : index
    %get3A_28 = arith.constant 0 : index
    %get3A_29 = vector.load %arg3[%get3A_27, %get3A_28] : memref<128x128xf32, #tpu.memory_space<vmem>>, vector<128x128xf32>
    %dot_general3A = arith.constant dense<0.000000e+00> : vector<5000x128xf32>
    %dot_general3A_30 = tpu.matmul %mul3A_26, %get3A_29, %dot_general3A {dimension_numbers = #tpu.dot_dimension_numbers<[1], [0], [0], [1], [0, 0, 1, 1], [], []>, transpose_lhs_hint = false} : vector<5000x128xf32>, vector<128x128xf32>, vector<5000x128xf32> -> vector<5000x128xf32>
    %get3A_31 = arith.constant 0 : index
    %get3A_32 = vector.load %arg5[%get3A_31] : memref<128xf32, #tpu.memory_space<vmem>>, vector<128xf32>
    %broadcast_in_dim3A_33 = vector.shape_cast %get3A_32 : vector<128xf32> to vector<1x128xf32>
    %add3A_34 = vector.broadcast %broadcast_in_dim3A_33 : vector<1x128xf32> to vector<5000x128xf32>
    %add3A_35 = arith.addf %dot_general3A_30, %add3A_34 : vector<5000x128xf32>
    %get3A_36 = arith.constant 0 : index
    %get3A_37 = arith.constant 0 : index
    %get3A_38 = vector.load %arg2[%get3A_36, %get3A_37] : memref<5000x128xf32, #tpu.memory_space<vmem>>, vector<5000x128xf32>
    %get3A_39 = arith.constant 0 : index
    %get3A_40 = arith.constant 0 : index
    %get3A_41 = vector.load %arg4[%get3A_39, %get3A_40] : memref<128x128xf32, #tpu.memory_space<vmem>>, vector<128x128xf32>
    %dot_general3A_42 = arith.constant dense<0.000000e+00> : vector<5000x128xf32>
    %dot_general3A_43 = tpu.matmul %get3A_38, %get3A_41, %dot_general3A_42 {dimension_numbers = #tpu.dot_dimension_numbers<[1], [0], [0], [1], [0, 0, 1, 1], [], []>, transpose_lhs_hint = false} : vector<5000x128xf32>, vector<128x128xf32>, vector<5000x128xf32> -> vector<5000x128xf32>
    %add3A_44 = arith.addf %add3A_35, %dot_general3A_43 : vector<5000x128xf32>
    %max3A_45 = arith.constant 0.000000e+00 : f32
    %max3A_46 = vector.broadcast %max3A_45 : f32 to vector<5000x128xf32>
    %max3A_47 = arith.maximumf %add3A_44, %max3A_46 : vector<5000x128xf32>
    %swap3A = arith.constant 0 : index
    %swap3A_48 = arith.constant 0 : index
    %swap3A_49 = vector.load %arg7[%swap3A, %swap3A_48] : memref<5000x128xf32, #tpu.memory_space<vmem>>, vector<5000x128xf32>
    tpu.vector_store %arg7[%swap3A, %swap3A_48], %max3A_47 {strides = array<i32>} : memref<5000x128xf32, #tpu.memory_space<vmem>>, vector<5000x128xf32>,
    %get3A_50 = arith.constant 0 : index
    %get3A_51 = arith.constant 0 : index
    %get3A_52 = vector.load %arg6[%get3A_50, %get3A_51] : memref<128x128xf32, #tpu.memory_space<vmem>>, vector<128x128xf32>
    %dot_general3A_53 = arith.constant dense<0.000000e+00> : vector<5000x128xf32>
    %dot_general3A_54 = tpu.matmul %max3A_47, %get3A_52, %dot_general3A_53 {dimension_numbers = #tpu.dot_dimension_numbers<[1], [0], [0], [1], [0, 0, 1, 1], [], []>, transpose_lhs_hint = false} : vector<5000x128xf32>, vector<128x128xf32>, vector<5000x128xf32> -> vector<5000x128xf32>
    %iota3A = tpu.iota {dimensions = array<i32: 1>} : vector<1x128xi32>
    %eq3A = arith.constant 64 : i32
    %eq3A_55 = vector.broadcast %eq3A : i32 to vector<1x128xi32>
    %eq3A_56 = arith.cmpi eq, %iota3A, %eq3A_55 : vector<1x128xi32>
    %convert_element_type3A = arith.extui %eq3A_56 : vector<1x128xi1> to vector<1x128xi32>
    %convert_element_type3A_57 = arith.sitofp %convert_element_type3A : vector<1x128xi32> to vector<1x128xf32>
    %add3A_58 = vector.broadcast %convert_element_type3A_57 : vector<1x128xf32> to vector<5000x128xf32>
    %add3A_59 = arith.addf %dot_general3A_54, %add3A_58 : vector<5000x128xf32>
    %swap3A_60 = arith.constant 0 : index
    %swap3A_61 = arith.constant 0 : index
    %swap3A_62 = vector.load %arg8[%swap3A_60, %swap3A_61] : memref<5000x128xf32, #tpu.memory_space<vmem>>, vector<5000x128xf32>
    tpu.vector_store %arg8[%swap3A_60, %swap3A_61], %add3A_59 {strides = array<i32>} : memref<5000x128xf32, #tpu.memory_space<vmem>>, vector<5000x128xf32>,
    return
  }
}

module attributes {stable_mosaic.version = 14 : i64} {
  func.func @_dense1_body(%arg0: memref<2x1024x128xf32, #tpu.memory_space<vmem>>, %arg1: memref<1024x128xf32, #tpu.memory_space<vmem>>, %arg2: memref<128x64xf32, #tpu.memory_space<vmem>>, %arg3: memref<64xf32, #tpu.memory_space<vmem>>, %arg4: memref<1024x64xf32, #tpu.memory_space<vmem>>) attributes {dimension_semantics = [], scalar_prefetch = 0 : i64, scratch_operands = 0 : i64, tpu.core_type = #tpu.core_type<tc>} {
    %get3A = arith.constant 0 : index
    %get3A_0 = arith.constant 0 : index
    %get3A_1 = arith.constant 0 : index
    %get3A_2 = vector.load %arg0[%get3A, %get3A_0, %get3A_1] : memref<2x1024x128xf32, #tpu.memory_space<vmem>>, vector<1x1024x128xf32>
    %get3A_3 = vector.shape_cast %get3A_2 : vector<1x1024x128xf32> to vector<1024x128xf32>
    %get3A_4 = arith.constant 1 : index
    %get3A_5 = arith.constant 0 : index
    %get3A_6 = arith.constant 0 : index
    %get3A_7 = vector.load %arg0[%get3A_4, %get3A_5, %get3A_6] : memref<2x1024x128xf32, #tpu.memory_space<vmem>>, vector<1x1024x128xf32>
    %get3A_8 = vector.shape_cast %get3A_7 : vector<1x1024x128xf32> to vector<1024x128xf32>
    %add3A = arith.addf %get3A_3, %get3A_8 : vector<1024x128xf32>
    %slice3A = vector.extract_strided_slice %add3A {offsets = [0, 64], sizes = [1024, 1], strides = [1, 1]} : vector<1024x128xf32> to vector<1024x1xf32>
    %squeeze3A = vector.shape_cast %slice3A : vector<1024x1xf32> to vector<1024xf32>
    %slice3A_9 = vector.extract_strided_slice %add3A {offsets = [0, 0], sizes = [1024, 64], strides = [1, 1]} : vector<1024x128xf32> to vector<1024x64xf32>
    %max3A = arith.constant 1.000000e+00 : f32
    %max3A_10 = vector.broadcast %max3A : f32 to vector<1024xf32>
    %max3A_11 = arith.maximumf %squeeze3A, %max3A_10 : vector<1024xf32>
    %broadcast_in_dim3A = vector.shape_cast %max3A_11 : vector<1024xf32> to vector<1024x1xf32>
    %div3A = vector.broadcast %broadcast_in_dim3A : vector<1024x1xf32> to vector<1024x64xf32>
    %div3A_12 = arith.divf %slice3A_9, %div3A : vector<1024x64xf32>
    %get3A_13 = arith.constant 0 : index
    %get3A_14 = vector.load %arg3[%get3A_13] : memref<64xf32, #tpu.memory_space<vmem>>, vector<64xf32>
    %broadcast_in_dim3A_15 = vector.shape_cast %get3A_14 : vector<64xf32> to vector<1x64xf32>
    %add3A_16 = vector.broadcast %broadcast_in_dim3A_15 : vector<1x64xf32> to vector<1024x64xf32>
    %add3A_17 = arith.addf %div3A_12, %add3A_16 : vector<1024x64xf32>
    %get3A_18 = arith.constant 0 : index
    %get3A_19 = arith.constant 0 : index
    %get3A_20 = vector.load %arg1[%get3A_18, %get3A_19] : memref<1024x128xf32, #tpu.memory_space<vmem>>, vector<1024x128xf32>
    %get3A_21 = arith.constant 0 : index
    %get3A_22 = arith.constant 0 : index
    %get3A_23 = vector.load %arg2[%get3A_21, %get3A_22] : memref<128x64xf32, #tpu.memory_space<vmem>>, vector<128x64xf32>
    %dot_general3A = arith.constant dense<0.000000e+00> : vector<1024x64xf32>
    %dot_general3A_24 = tpu.matmul %get3A_20, %get3A_23, %dot_general3A {dimension_numbers = #tpu.dot_dimension_numbers<[1], [0], [0], [1], [0, 0, 1, 1], [], []>, transpose_lhs_hint = false} : vector<1024x128xf32>, vector<128x64xf32>, vector<1024x64xf32> -> vector<1024x64xf32>
    %add3A_25 = arith.addf %add3A_17, %dot_general3A_24 : vector<1024x64xf32>
    %reduce_max3A = arith.constant dense<0xFF800000> : vector<1024xf32>
    %reduce_max3A_26 = vector.multi_reduction <maximumf>, %add3A_25, %reduce_max3A [1] : vector<1024x64xf32> to vector<1024xf32>
    %broadcast_in_dim3A_27 = vector.shape_cast %reduce_max3A_26 : vector<1024xf32> to vector<1024x1xf32>
    %sub3A = vector.broadcast %broadcast_in_dim3A_27 : vector<1024x1xf32> to vector<1024x64xf32>
    %sub3A_28 = arith.subf %add3A_25, %sub3A : vector<1024x64xf32>
    %exp3A = math.exp %sub3A_28 : vector<1024x64xf32>
    %reduce_sum3A = arith.constant dense<0.000000e+00> : vector<1024xf32>
    %reduce_sum3A_29 = vector.multi_reduction <add>, %exp3A, %reduce_sum3A [1] : vector<1024x64xf32> to vector<1024xf32>
    %broadcast_in_dim3A_30 = vector.shape_cast %reduce_sum3A_29 : vector<1024xf32> to vector<1024x1xf32>
    %log3A = math.log %broadcast_in_dim3A_30 : vector<1024x1xf32>
    %sub3A_31 = vector.broadcast %log3A : vector<1024x1xf32> to vector<1024x64xf32>
    %sub3A_32 = arith.subf %sub3A_28, %sub3A_31 : vector<1024x64xf32>
    %swap3A = arith.constant 0 : index
    %swap3A_33 = arith.constant 0 : index
    %swap3A_34 = vector.load %arg4[%swap3A, %swap3A_33] : memref<1024x64xf32, #tpu.memory_space<vmem>>, vector<1024x64xf32>
    tpu.vector_store %arg4[%swap3A, %swap3A_33], %sub3A_32 {strides = array<i32>} : memref<1024x64xf32, #tpu.memory_space<vmem>>, vector<1024x64xf32>,
    return
  }
}

</mosaic_0001>

<sc_bundles>
// kernel: kernel.10.cloned.1.call-start
scs
__scs_entry_jumppad:
0x0: {  	(pc) =	sbr.rel $0x88, $3  }
0x1: {  	(tag) =	ssettag $0x0;
	lr =	simm.s32 $0x1  }
0x2: {  	[smem:$0x3F98] =	sst lr;
	_ =	strace $0xD0000000  }
0x3: {  	_ = 	snop  }
0x4: {  	_ = 	snop  }
0x5: {  	_ = 	snop  }
0x6: {  	_ = 	snop  }
0x7: {  	_ = 	snop  }
__scs_overlays_trampoline_lowered:
0x8: {  	[smem:$0x3FA7] =	sst s0  }
0x9: {  	[smem:$0x3FA8] =	sst s1  }
0xa: {  	[smem:$0x3FA9] =	sst s2  }
0xb: {  	[smem:$0x3FAA] =	sst s3  }
0xc: {  	[smem:$0x3FAB] =	sst s4  }
0xd: {  	[smem:$0x3FAC] =	sst s5  }
0xe: {  	[smem:$0x3FAD] =	sst s6  }
0xf: {  	[smem:$0x3FAE] =	sst s7  }
0x10: {  	[smem:$0x3FAF] =	sst s8  }
0x11: {  	[smem:$0x3FB0] =	sst s9;
	s0 =	simm.s32 @!p0 $0x0  }
0x12: {  	s1 =	sld [smem:$0x3F96];
	s0 =	simm.s32 @p0 $0x1  }
0x13: {  	[smem:$0x3FB1] =	sst s0;
	s0 =	simm.s32 @!p1 $0x0  }
0x14: {  	s2 =	sld [smem:$0x3F95];
	s0 =	simm.s32 @p1 $0x1  }
0x15: {  	[smem:$0x3FB2] =	sst s0;
	s0 =	simm.s32 @!p2 $0x0  }
0x16: {  	s3 =	sld [smem:$0x3FDB];
	s0 =	simm.s32 @p2 $0x1  }
0x17: {  	s4 =	simm.s32 $0x1BF5;
	[smem:$0x3FB4] =	sst s0  }
0x18: {  	s0 =	sld [smem:$0x3F97];
	_ =	swait.ge [sflag:s4], $0x0  }
0x19: {  	s7 =	sld [smem:$0x3F98]  }
0x1a: {  	s8 =	sadd.s32 $0xFFFFE003, lr  }
0x1b: {  	s9 =	sadd.s32 $0xFFFFFEF7, lr;
	s5 =	simm.s32 $0xFFFFFFFF;
	p2 =	slt.u32 s8, $0xFFFFF086  }
0x1c: {  	p1 =	slt.u32 s9, $0xF7A;
	s5 =	simm.s32 @!p2 $0x0  }
0x1d: {  	s5 =	simm.s32 @p1 $0x1;
	p0 =	seq.s32 s7, s2  }
0x1e: {  	s7 =	smul.u32 @!p0 $0xF7A, s2;
	p2 =	seq.s32 @!p0 s5, $0x0  }
0x1f: {  	s9 =	smul.u32 $0xF7A, s1;
	s8 =	simm.s32 @!p0 $0x1BF5;
	p2 =	por !p2, p0  }
0x20: {  	[sflag:s8] =	ssyncset.s32 @!p0 $0xFFFFF086;
	s6 =	sadd.s32 @!p0 s3, s7;
	s7 =	simm.s32 @!p0 $0x108  }
0x21: {  	s3 =	sadd.s32 s3, s9;
	s6 =	sadd.s32 @!p0 $0x88, s6;
	s7 =	simm.s32 @p2 $0x1082  }
0x22: {  	[simem:s7], [sflag:s8] =	dma.local @!p0 [hbm:s6], $0xF7A  }
0x23: {  	s9 =	sor.u32 $0xD0000000, s2;
	s6 =	simm.s32 $0x108;
	_ =	swait.ge @!p0 [sflag:s8], $0x0  }
0x24: {  	s3 =	sadd.s32 $0x88, s3;
	s6 =	simm.s32 @!p1 $0x1082;
	[sflag:s4] =	ssyncset.s32 $0xFFFFF086  }
0x25: {  	[simem:s6], [sflag:s4] =	dma.local [hbm:s3], $0xF7A  }
0x26: {  	[smem:$0x3F98] =	sst s1;
	(tag) =	ssettag s2;
	_ =	strace s9  }
0x27: {  	s1 =	sld [smem:$0x3FA8]  }
0x28: {  	s2 =	sld [smem:$0x3FA9]  }
0x29: {  	s4 =	sld [smem:$0x3FAB]  }
0x2a: {  	p0 =	seq.s32 s5, $0x0;
	s5 =	sld [smem:$0x3FAC]  }
0x2b: {  	s6 =	sld [smem:$0x3FAD]  }
0x2c: {  	s7 =	sld [smem:$0x3FAE]  }
0x2d: {  	s3 =	simm.s32 $0x108;
	s8 =	sld [smem:$0x3FAF]  }
0x2e: {  	s3 =	simm.s32 @!p0 $0x1082;
	s9 =	sld [smem:$0x3FB0]  }
0x2f: {  	lr =	sadd.s32 s0, s3;
	s0 =	sld [smem:$0x3FA7]  }
0x30: {  	s3 =	sld [smem:$0x3FAA]  }
0x31: {  	[smem:$0x3FB3] =	sst s10  }
0x32: {  	s10 =	sld [smem:$0x3FB1];
	_ =	sdelay $0x3  }
0x33: {  	p0 =	seq.s32 s10, $0x1;
	s10 =	sld [smem:$0x3FB3];
	_ =	sdelay $0x3  }
0x34: {  	[smem:$0x3FB3] =	sst s10  }
0x35: {  	s10 =	sld [smem:$0x3FB2];
	_ =	sdelay $0x3  }
0x36: {  	p1 =	seq.s32 s10, $0x1;
	s10 =	sld [smem:$0x3FB3];
	_ =	sdelay $0x3  }
0x37: {  	[smem:$0x3FB3] =	sst s10  }
0x38: {  	s10 =	sld [smem:$0x3FB4]  }
0x39: {  	_ = 	snop;
	(pc) =	sbr.ind lr, $3  }
0x3a: {  	_ = 	snop  }
0x3b: {  	_ = 	snop  }
0x3c: {  	p2 =	seq.s32 s10, $0x1;
	s10 =	sld [smem:$0x3FB3]  }
0x3d: {  	_ =	shalt  }
0x3e: {  	_ =	shalt  }
0x3f: {  	_ =	shalt  }
0x40: {  	_ =	shalt  }
0x41: {  	_ =	shalt  }
0x42: {  	_ =	shalt  }
0x43: {  	_ =	shalt  }
0x44: {  	_ =	shalt  }
0x45: {  	_ =	shalt  }
0x46: {  	_ =	shalt  }
0x47: {  	_ =	shalt  }
0x48: {  	_ =	shalt  }
0x49: {  	_ =	shalt  }
0x4a: {  	_ =	shalt  }
0x4b: {  	_ =	shalt  }
0x4c: {  	_ =	shalt  }
0x4d: {  	_ =	shalt  }
0x4e: {  	_ =	shalt  }
0x4f: {  	_ =	shalt  }
0x50: {  	_ =	shalt  }
0x51: {  	_ =	shalt  }
0x52: {  	_ =	shalt  }
0x53: {  	_ =	shalt  }
0x54: {  	_ =	shalt  }
0x55: {  	_ =	shalt  }
0x56: {  	_ =	shalt  }
0x57: {  	_ =	shalt  }
0x58: {  	_ =	shalt  }
0x59: {  	_ =	shalt  }
0x5a: {  	_ =	shalt  }
0x5b: {  	_ =	shalt  }
0x5c: {  	_ =	shalt  }
0x5d: {  	_ =	shalt  }
0x5e: {  	_ =	shalt  }
0x5f: {  	_ =	shalt  }
0x60: {  	_ =	shalt  }
0x61: {  	_ =	shalt  }
0x62: {  	_ =	shalt  }
0x63: {  	_ =	shalt  }
0x64: {  	_ =	shalt  }
0x65: {  	_ =	shalt  }
0x66: {  	_ =	shalt  }
0x67: {  	_ =	shalt  }
0x68: {  	_ =	shalt  }
0x69: {  	_ =	shalt  }
0x6a: {  	_ =	shalt  }
0x6b: {  	_ =	shalt  }
0x6c: {  	_ =	shalt  }
0x6d: {  	_ =	shalt  }
0x6e: {  	_ =	shalt  }
0x6f: {  	_ =	shalt  }
0x70: {  	_ =	shalt  }
0x71: {  	_ =	shalt  }
0x72: {  	_ =	shalt  }
0x73: {  	_ =	shalt  }
0x74: {  	_ =	shalt  }
0x75: {  	_ =	shalt  }
0x76: {  	_ =	shalt  }
0x77: {  	_ =	shalt  }
0x78: {  	_ =	shalt  }
0x79: {  	_ =	shalt  }
0x7a: {  	_ =	shalt  }
0x7b: {  	_ =	shalt  }
0x7c: {  	_ =	shalt  }
0x7d: {  	_ =	shalt  }
0x7e: {  	_ =	shalt  }
0x7f: {  	_ =	shalt  }
0x80: {  	_ =	shalt  }
0x81: {  	_ =	shalt  }
0x82: {  	_ =	shalt  }
0x83: {  	_ =	shalt  }
0x84: {  	_ =	shalt  }
0x85: {  	_ =	shalt  }
0x86: {  	_ =	shalt  }
0x87: {  	_ =	shalt  }
.Lfunc_end0:
.L_simem_size_0:
called_computation.1_lowered:
.L_overlay_start_0:
0x88: {  	s2 =	sld [smem:$0x3FD9]  }
0x89: {  	s3 =	sld [smem:$0x3FFE];
	_ =	sdelay $0x1  }
0x8a: {  	s1 =	srdreg.scid  }
0x8b: {  	s0 =	sand.u32 $0x1, s1  }
0x8c: {  	s17 =	sshll.u32 s0, $0xA;
	s2 =	sadd.s32 s3, s2  }
0x8d: {  	s2 =	sadd.s32 s2, s17  }
0x8e: {  	[smem:$0x3FBF] =	sst s2  }
0x8f: {  	_ = 	snop  }
0x90: {  	(tm) =	ssettm $0x1  }
0x91: {  	s18 =	sld [smem:$0x3FFB];
	_ =	sdelay $0x3  }
0x92: {  	_ =	strace s18  }
0x93: {  	s2 =	sld [smem:$0x3FFC];
	_ =	sdelay $0x3  }
0x94: {  	_ =	strace s2  }
0x95: {  	s2 =	sld [smem:$0x3FFD];
	_ =	sdelay $0x3  }
0x96: {  	_ =	strace s2  }
0x97: {  	_ =	strace $0x8FFFFFFF  }
0x98: {  	s19 =	sld [smem:$0x3FDB];
	_ =	sdelay $0x1  }
0x99: {  	s20 =	simm.s32 $_scs_section_size  }
0x9a: {  	s4 =	simm.s32 $_size__tile_overlayer_lowered;
	s5 =	simm.s32 $_tile_overlayer_lowered  }
0x9b: {  	s6 =	simm.s32 $0x1BFF;
	s21 =	sshll.u32 s5, $0x1;
	s3 =	sadd.s32 s20, s19  }
0x9c: {  	s22 =	simm.s32 $0x0;
	s4 =	sshll.u32 s4, $0x1;
	s5 =	sadd.s32 s21, s3  }
0x9d: {  	[timem:s22], [sflag:s6] =	dma.local [hbm:s5], s4  }
0x9e: {  	_ =	swait.ge [sflag:s6], s4  }
0x9f: {  	s4 =	ssub.s32 $0x0, s4;
	[sflag:s6] =	ssyncset.done $0x0  }
0xa0: {  	[sflag:s6] =	ssyncadd.s32 s4;
	_ =	sdelay $0x1  }
0xa1: {  	s23 =	simm.s32 $0x1B8B  }
0xa2: {  	_ =	swait.ge [sflag:s23], $0x1  }
0xa3: {  	[sflag:s23] =	ssyncset.done $0x0  }
0xa4: {  	[sflag:s23] =	ssyncadd.s32 $0xFFFFFFFF  }
0xa5: {  	s4 =	sld [smem:$0x0]  }
0xa6: {  	s5 =	sand.u32 $0xFFFFFFFE, s1  }
0xa7: {  	p0 =	sne.s32 s1, s5  }
0xa8: {  	s5 =	sshll.u32 @p0 s5, $0xE  }
0xa9: {  	s5 =	sadd.s32 @p0 $0x11B8D, s5;
	s6 =	sshll.u32 @p0 s4, $0x11  }
0xaa: {  	s5 =	sor.u32 @p0 s6, s5  }
0xab: {  	[sflag:s5] =	ssyncadd.remote.s32 @p0 $0x1;
	_ =	sdelay $0x1  }
0xac: {  	s5 =	simm.s32 @p0 $0x1B8D  }
0xad: {  	_ =	swait.eq @p0 [sflag:s5], $0x1  }
0xae: {  	[sflag:s5] =	ssyncadd.s32 @p0 $0xFFFFFFFF  }
0xaf: {  	s6 =	sshll.u32 @!p0 s1, $0xE  }
0xb0: {  	s6 =	sor.u32 @!p0 $0x4000, s6;
	s5 =	simm.s32 @!p0 $0x1B8D  }
0xb1: {  	s4 =	sshll.u32 @!p0 s4, $0x11;
	s6 =	sadd.s32 @!p0 $0x11B8D, s6;
	_ =	swait.eq @!p0 [sflag:s5], $0x1  }
0xb2: {  	s4 =	sor.u32 @!p0 s4, s6;
	[sflag:s5] =	ssyncadd.s32 @!p0 $0xFFFFFFFF  }
0xb3: {  	s25 =	simm.s32 $0x1B8E;
	s24 =	sld [smem:$0x3FFE];
	[sflag:s4] =	ssyncadd.remote.s32 @!p0 $0x1  }
0xb4: {  	s26 =	simm.s32 $execute0_lowered;
	[smem:$0x3FD2] =	sst s25  }
0xb5: {  	s5 =	sshll.u32 s26, $0x1;
	_ =	strace $0x80000049;
	[dreg:$0x1] =	wrdreg $0xFFFFFFFF  }
0xb6: {  	s28 =	simm.s32 $_size_execute0_lowered;
	s3 =	sadd.s32 s3, s5;
	[dreg:$0x0] =	wrdreg $0x0  }
0xb7: {  	s5 =	sshll.u32 s28, $0x1;
	[dreg:$0x2] =	wrdreg s3  }
0xb8: {  	[dreg:$0x3] =	wrdreg s5  }
0xb9: {  	[dreg:$0x4] =	wrdreg $0xC0  }
0xba: {  	_ =	task [dreg:s22], $0x5FFFF  }
0xbb: {  	[dreg:$0x1] =	wrdreg $0xFFFFFFFF  }
0xbc: {  	[dreg:$0x0] =	wrdreg $0x60  }
0xbd: {  	[dreg:$0x2] =	wrdreg s24  }
0xbe: {  	[dreg:$0x3] =	wrdreg $0x54000  }
0xbf: {  	[dreg:$0x4] =	wrdreg $0xA  }
0xc0: {  	_ =	task.clear_ibuf [dreg:s22], $0x5FFFF;
	_ =	strace $0x90000049  }
0xc1: {  	s29 =	simm.s32 $0xA;
	_ =	strace $0x8000004B  }
0xc2: {  	_ =	swait.ge [sflag:s29], $0x1  }
0xc3: {  	[sflag:s29] =	ssyncadd.s32 $0xFFFFFFFF  }
0xc4: {  	_ =	strace $0x9000004B  }
0xc5: {  	_ =	sfence  }
0xc6: {  	s30 =	sld [smem:$0x0];
	_ =	sdelay $0x2  }
0xc7: {  	s31 =	sshll.u32 s1, $0xD;
	s1 =	sshrl.u32 s1, $0x2  }
0xc8: {  	s4 =	sand.u32 $0x4000, s31;
	s1 =	sadd.s32 s1, s30  }
0xc9: {  	s0 =	sor.u32 s4, s0;
	s1 =	sshll.u32 s1, $0x11  }
0xca: {  	s0 =	sor.u32 s1, s0  }
0xcb: {  	s0 =	sadd.s32 $0x8F2B, s0  }
0xcc: {  	[sflag:s0] =	ssyncadd.remote.s32 $0x1  }
0xcd: {  	_ =	sfence.sel $0xFFFF  }
0xce: {  	[dreg:$0x0] =	wrdreg $0xFFFFFFFF;
	(pc) =	sbr.abs _section_cstart, $3  }
0xcf: {  	[dreg:$0x1] =	wrdreg $0xFFFFFFFF  }
0xd0: {  	_ =	task.clear_ibuf [dreg:s22], $0x2FFFF;
	_ =	strace $0x9FFFFFFF  }
0xd1: {  	(tm) =	ssettm $0x7FFFFFFF  }
tec
execute0_lowered:
.L_overlay_start_1:
0x0: {  	(tag) =	ssettag $0x1  }
0x1: {  	s0 =	srdreg.scid;
	s5 =	rddreg [dreg:$0x0]  }
0x2: {  	s8 =	stileid.u32;
	s2 =	rddreg [dreg:$0x1];
	s3 =	simm.s32 $0x0  }
0x3: {  	s31 =	simm.s32 $0x2;
	s0 =	sand.u32 $0x1, s0;
	s6 =	smul.u32 $0xA000, s8  }
0x4: {  	s1 =	sshll.u32 s8, $0x1;
	[smem:$0x7FF] =	sst s3;
	s7 =	smul.u32 $0x28000, s8  }
0x5: {  	s9 =	sadd.s32 $0x34800, s5;
	s8 =	sshll.u32 s8, $0x6;
	s1 =	sor.u32 s0, s1  }
0x6: {  	s4 =	smul.u32 $0xA0000, s0;
	_ =	strace $0x8000004A;
	s0 =	ssub.s32 $0x2, s0  }
0x7: {  	[dreg:$0x3] =	wrdreg s9;
	s1 =	smul.u32 $0x280, s1;
	s11 =	sshrl.u32 s0, $0x1  }
0x8: {  	s7 =	sshrl.u32 s7, $0x2;
	s6 =	sadd.s32 s6, s4;
	s4 =	sadd.s32 $0xC600, s5  }
0x9: {  	s0 =	ssub.s32 s0, s11;
	s1 =	sadd.s32 s1, s5;
	s6 =	sshrl.u32 s6, $0x3  }
0xa: {  	s0 =	smax.u32 s0, $0x1;
	s5 =	sadd.s32 s6, s5;
	s6 =	sadd.s32 s7, s2  }
0xb: {  	s7 =	sor.u32 $0x1C02, s8;
	s1 =	sadd.s32 $0x2600, s1;
	[dreg:$0x6] =	wrdreg s0  }
0xc: {  	s0 =	simm.s32 $0x80;
	[dreg:$0x4] =	wrdreg s1;
	s12 =	sadd.s32 $0x35000, s5  }
0xd: {  	s13 =	sadd.s32 $0x800, s6;
	s14 =	sadd.s32 $0x1000, s6;
	s15 =	sadd.s32 $0x1800, s6  }
0xe: {  	s16 =	sadd.s32 $0x2000, s6;
	s26 =	sadd.s32 $0x2800, s6;
	s10 =	sadd.s32 $0x3000, s6  }
0xf: {  	s17 =	sadd.s32 $0x3800, s6;
	s18 =	sadd.s32 $0x4000, s6;
	s19 =	sadd.s32 $0x4800, s6  }
0x10: {  	s20 =	sadd.s32 $0x5000, s6;
	s21 =	sadd.s32 $0x5800, s6;
	s22 =	sadd.s32 $0x6000, s6  }
0x11: {  	s23 =	sadd.s32 $0x6800, s6;
	s24 =	sadd.s32 $0x7000, s6;
	s25 =	sadd.s32 $0x7800, s6  }
0x12: {  	s5 =	sadd.s32 $0x8000, s6;
	s8 =	sadd.s32 $0x8800, s6;
	s9 =	sadd.s32 $0x9000, s6  }
0x13: {  	s1 =	simm.s32 $0x1400;
	[dreg:$0x5] =	wrdreg s12;
	s11 =	sshrl.u32 s13, $0x3  }
0x14: {  	s12 =	sshrl.u32 s14, $0x3;
	s13 =	sshrl.u32 s15, $0x3;
	s14 =	sshrl.u32 s16, $0x3  }
0x15: {  	s15 =	sshrl.u32 s26, $0x3;
	s16 =	sshrl.u32 s10, $0x3;
	s17 =	sshrl.u32 s17, $0x3  }
0x16: {  	s18 =	sshrl.u32 s18, $0x3;
	s19 =	sshrl.u32 s19, $0x3;
	s20 =	sshrl.u32 s20, $0x3  }
0x17: {  	s21 =	sshrl.u32 s21, $0x3;
	s22 =	sshrl.u32 s22, $0x3;
	s23 =	sshrl.u32 s23, $0x3  }
0x18: {  	s24 =	sshrl.u32 s24, $0x3;
	s25 =	sshrl.u32 s25, $0x3;
	s26 =	sshrl.u32 s5, $0x3  }
0x19: {  	s28 =	sshrl.u32 s8, $0x3;
	s10 =	sadd.s32 $0x9800, s6;
	s29 =	sshrl.u32 s9, $0x3  }
0x1a: {  	s5 =	simm.s32 $0x1;
	s8 =	simm.s32 $0x0;
	s30 =	sshrl.u32 s10, $0x3  }
.LBB2_1:
0x1b: {  	s9 =	sshrl.u32 s6, $0x3  }
0x1c: {  	[spmem:s9], [sflag:s7] =	dma.local [hbm:s4], $0x100  }
0x1d: {  	_ =	swait.ge [sflag:s31], $0x100  }
0x1e: {  	[sflag:s31] =	ssyncset.done $0x0  }
0x1f: {  	[sflag:s31] =	ssyncadd.s32 $0xFFFFFF00  }
0x20: {  	[spmem:s11], [sflag:s7] =	dma.local [hbm:s4], $0x100  }
0x21: {  	_ =	swait.ge [sflag:s31], $0x100  }
0x22: {  	[sflag:s31] =	ssyncset.done $0x0  }
0x23: {  	[sflag:s31] =	ssyncadd.s32 $0xFFFFFF00  }
0x24: {  	[spmem:s12], [sflag:s7] =	dma.local [hbm:s4], $0x100  }
0x25: {  	_ =	swait.ge [sflag:s31], $0x100  }
0x26: {  	[sflag:s31] =	ssyncset.done $0x0  }
0x27: {  	[sflag:s31] =	ssyncadd.s32 $0xFFFFFF00  }
0x28: {  	[spmem:s13], [sflag:s7] =	dma.local [hbm:s4], $0x100  }
0x29: {  	_ =	swait.ge [sflag:s31], $0x100  }
0x2a: {  	[sflag:s31] =	ssyncset.done $0x0  }
0x2b: {  	[sflag:s31] =	ssyncadd.s32 $0xFFFFFF00  }
0x2c: {  	[spmem:s14], [sflag:s7] =	dma.local [hbm:s4], $0x100  }
0x2d: {  	_ =	swait.ge [sflag:s31], $0x100  }
0x2e: {  	[sflag:s31] =	ssyncset.done $0x0  }
0x2f: {  	[sflag:s31] =	ssyncadd.s32 $0xFFFFFF00  }
0x30: {  	[spmem:s15], [sflag:s7] =	dma.local [hbm:s4], $0x100  }
0x31: {  	_ =	swait.ge [sflag:s31], $0x100  }
0x32: {  	[sflag:s31] =	ssyncset.done $0x0  }
0x33: {  	[sflag:s31] =	ssyncadd.s32 $0xFFFFFF00  }
0x34: {  	[spmem:s16], [sflag:s7] =	dma.local [hbm:s4], $0x100  }
0x35: {  	_ =	swait.ge [sflag:s31], $0x100  }
0x36: {  	[sflag:s31] =	ssyncset.done $0x0  }
0x37: {  	[sflag:s31] =	ssyncadd.s32 $0xFFFFFF00  }
0x38: {  	[spmem:s17], [sflag:s7] =	dma.local [hbm:s4], $0x100  }
0x39: {  	_ =	swait.ge [sflag:s31], $0x100  }
0x3a: {  	[sflag:s31] =	ssyncset.done $0x0  }
0x3b: {  	[sflag:s31] =	ssyncadd.s32 $0xFFFFFF00  }
0x3c: {  	[spmem:s18], [sflag:s7] =	dma.local [hbm:s4], $0x100  }
0x3d: {  	_ =	swait.ge [sflag:s31], $0x100  }
0x3e: {  	[sflag:s31] =	ssyncset.done $0x0  }
0x3f: {  	[sflag:s31] =	ssyncadd.s32 $0xFFFFFF00  }
0x40: {  	[spmem:s19], [sflag:s7] =	dma.local [hbm:s4], $0x100  }
0x41: {  	_ =	swait.ge [sflag:s31], $0x100  }
0x42: {  	[sflag:s31] =	ssyncset.done $0x0  }
0x43: {  	[sflag:s31] =	ssyncadd.s32 $0xFFFFFF00  }
0x44: {  	[spmem:s20], [sflag:s7] =	dma.local [hbm:s4], $0x100  }
0x45: {  	_ =	swait.ge [sflag:s31], $0x100  }
0x46: {  	[sflag:s31] =	ssyncset.done $0x0  }
0x47: {  	[sflag:s31] =	ssyncadd.s32 $0xFFFFFF00  }
0x48: {  	[spmem:s21], [sflag:s7] =	dma.local [hbm:s4], $0x100  }
0x49: {  	_ =	swait.ge [sflag:s31], $0x100  }
0x4a: {  	[sflag:s31] =	ssyncset.done $0x0  }
0x4b: {  	[sflag:s31] =	ssyncadd.s32 $0xFFFFFF00  }
0x4c: {  	[spmem:s22], [sflag:s7] =	dma.local [hbm:s4], $0x100  }
0x4d: {  	_ =	swait.ge [sflag:s31], $0x100  }
0x4e: {  	[sflag:s31] =	ssyncset.done $0x0  }
0x4f: {  	[sflag:s31] =	ssyncadd.s32 $0xFFFFFF00  }
0x50: {  	[spmem:s23], [sflag:s7] =	dma.local [hbm:s4], $0x100  }
0x51: {  	_ =	swait.ge [sflag:s31], $0x100  }
0x52: {  	[sflag:s31] =	ssyncset.done $0x0  }
0x53: {  	[sflag:s31] =	ssyncadd.s32 $0xFFFFFF00  }
0x54: {  	[spmem:s24], [sflag:s7] =	dma.local [hbm:s4], $0x100  }
0x55: {  	_ =	swait.ge [sflag:s31], $0x100  }
0x56: {  	[sflag:s31] =	ssyncset.done $0x0  }
0x57: {  	[sflag:s31] =	ssyncadd.s32 $0xFFFFFF00  }
0x58: {  	[spmem:s25], [sflag:s7] =	dma.local [hbm:s4], $0x100  }
0x59: {  	_ =	swait.ge [sflag:s31], $0x100  }
0x5a: {  	[sflag:s31] =	ssyncset.done $0x0  }
0x5b: {  	[sflag:s31] =	ssyncadd.s32 $0xFFFFFF00  }
0x5c: {  	[spmem:s26], [sflag:s7] =	dma.local [hbm:s4], $0x100  }
0x5d: {  	_ =	swait.ge [sflag:s31], $0x100  }
0x5e: {  	[sflag:s31] =	ssyncset.done $0x0  }
0x5f: {  	[sflag:s31] =	ssyncadd.s32 $0xFFFFFF00  }
0x60: {  	[spmem:s28], [sflag:s7] =	dma.local [hbm:s4], $0x100  }
0x61: {  	_ =	swait.ge [sflag:s31], $0x100  }
0x62: {  	[sflag:s31] =	ssyncset.done $0x0  }
0x63: {  	[sflag:s31] =	ssyncadd.s32 $0xFFFFFF00  }
0x64: {  	[spmem:s29], [sflag:s7] =	dma.local [hbm:s4], $0x100  }
0x65: {  	_ =	swait.ge [sflag:s31], $0x100  }
0x66: {  	[sflag:s31] =	ssyncset.done $0x0  }
0x67: {  	[sflag:s31] =	ssyncadd.s32 $0xFFFFFF00  }
0x68: {  	[spmem:s30], [sflag:s7] =	dma.local [hbm:s4], $0x100  }
0x69: {  	_ =	swait.ge [sflag:s31], $0x100  }
0x6a: {  	[sflag:s31] =	ssyncset.done $0x0  }
0x6b: {  	s10 =	rddreg [dreg:$0x4];
	[sflag:s31] =	ssyncadd.s32 $0xFFFFFF00  }
0x6c: {  	[tilespmem:s3], [sflag:$0x2] =	stream.linear.gather [hbm4b:s10+s3], $0x1400, $0x38;
	[tilespmem:$0xF400] =	vst v63  }
0x6d: {  	_ =	swait.ge [sflag:s31], $0x1400  }
0x6e: {  	[sflag:s31] =	ssyncset.done $0x0  }
0x6f: {  	s10 =	rddreg [dreg:$0x3];
	[sflag:s31] =	ssyncadd.s32 $0xFFFFEC00  }
0x70: {  	[tilespmem:s1], [sflag:$0x2] =	stream.linear.gather [hbm4b:s10+s3], $0x4000, $0x38;
	[tilespmem:$0xF400] =	vst v63  }
0x71: {  	_ =	swait.ge [sflag:s31], $0x4000  }
0x72: {  	[sflag:s31] =	ssyncset.done $0x0  }
0x73: {  	[sflag:s31] =	ssyncadd.s32 $0xFFFFC000  }
0x74: {  	[bflag:$0x0] =	sbarrier.arrive $0xFFFF  }
0x75: {  	[spmem:s2] =	stream.indirect.scatter.add.f32 [tilespmem:s1], [sflag:$0x1], $0x80, s3, s0, $0xb8;
	[tilespmem:$0xF400] =	vst v63  }
0x76: {  	_ = 	snop  }
0x77: {  	[spmem:s2] =	stream.indirect.scatter.add.f32 [tilespmem:s1], [sflag:$0x1], $0x80, s0, s0, $0xb8;
	[tilespmem:$0xF400] =	vst v63  }
0x78: {  	s10 =	simm.s32 $0x100  }
0x79: {  	[spmem:s2] =	stream.indirect.scatter.add.f32 [tilespmem:s1], [sflag:$0x1], $0x80, s10, s0, $0xb8;
	[tilespmem:$0xF400] =	vst v63  }
0x7a: {  	s10 =	simm.s32 $0x180  }
0x7b: {  	[spmem:s2] =	stream.indirect.scatter.add.f32 [tilespmem:s1], [sflag:$0x1], $0x80, s10, s0, $0xb8;
	[tilespmem:$0xF400] =	vst v63  }
0x7c: {  	s10 =	simm.s32 $0x200  }
0x7d: {  	[spmem:s2] =	stream.indirect.scatter.add.f32 [tilespmem:s1], [sflag:$0x1], $0x80, s10, s0, $0xb8;
	[tilespmem:$0xF400] =	vst v63  }
0x7e: {  	s10 =	simm.s32 $0x280  }
0x7f: {  	[spmem:s2] =	stream.indirect.scatter.add.f32 [tilespmem:s1], [sflag:$0x1], $0x80, s10, s0, $0xb8;
	[tilespmem:$0xF400] =	vst v63  }
0x80: {  	s10 =	simm.s32 $0x300  }
0x81: {  	[spmem:s2] =	stream.indirect.scatter.add.f32 [tilespmem:s1], [sflag:$0x1], $0x80, s10, s0, $0xb8;
	[tilespmem:$0xF400] =	vst v63  }
0x82: {  	s10 =	simm.s32 $0x380  }
0x83: {  	[spmem:s2] =	stream.indirect.scatter.add.f32 [tilespmem:s1], [sflag:$0x1], $0x80, s10, s0, $0xb8;
	[tilespmem:$0xF400] =	vst v63  }
0x84: {  	s10 =	simm.s32 $0x400  }
0x85: {  	[spmem:s2] =	stream.indirect.scatter.add.f32 [tilespmem:s1], [sflag:$0x1], $0x80, s10, s0, $0xb8;
	[tilespmem:$0xF400] =	vst v63  }
0x86: {  	s10 =	simm.s32 $0x480  }
0x87: {  	[spmem:s2] =	stream.indirect.scatter.add.f32 [tilespmem:s1], [sflag:$0x1], $0x80, s10, s0, $0xb8;
	[tilespmem:$0xF400] =	vst v63  }
0x88: {  	s10 =	simm.s32 $0x500  }
0x89: {  	[spmem:s2] =	stream.indirect.scatter.add.f32 [tilespmem:s1], [sflag:$0x1], $0x80, s10, s0, $0xb8;
	[tilespmem:$0xF400] =	vst v63  }
0x8a: {  	s10 =	simm.s32 $0x580  }
0x8b: {  	[spmem:s2] =	stream.indirect.scatter.add.f32 [tilespmem:s1], [sflag:$0x1], $0x80, s10, s0, $0xb8;
	[tilespmem:$0xF400] =	vst v63  }
0x8c: {  	s10 =	simm.s32 $0x600  }
0x8d: {  	[spmem:s2] =	stream.indirect.scatter.add.f32 [tilespmem:s1], [sflag:$0x1], $0x80, s10, s0, $0xb8;
	[tilespmem:$0xF400] =	vst v63  }
0x8e: {  	s10 =	simm.s32 $0x680  }
0x8f: {  	[spmem:s2] =	stream.indirect.scatter.add.f32 [tilespmem:s1], [sflag:$0x1], $0x80, s10, s0, $0xb8;
	[tilespmem:$0xF400] =	vst v63  }
0x90: {  	s10 =	simm.s32 $0x700  }
0x91: {  	[spmem:s2] =	stream.indirect.scatter.add.f32 [tilespmem:s1], [sflag:$0x1], $0x80, s10, s0, $0xb8;
	[tilespmem:$0xF400] =	vst v63  }
0x92: {  	s10 =	simm.s32 $0x780  }
0x93: {  	[spmem:s2] =	stream.indirect.scatter.add.f32 [tilespmem:s1], [sflag:$0x1], $0x80, s10, s0, $0xb8;
	[tilespmem:$0xF400] =	vst v63  }
0x94: {  	s10 =	simm.s32 $0x800  }
0x95: {  	[spmem:s2] =	stream.indirect.scatter.add.f32 [tilespmem:s1], [sflag:$0x1], $0x80, s10, s0, $0xb8;
	[tilespmem:$0xF400] =	vst v63  }
0x96: {  	s10 =	simm.s32 $0x880  }
0x97: {  	[spmem:s2] =	stream.indirect.scatter.add.f32 [tilespmem:s1], [sflag:$0x1], $0x80, s10, s0, $0xb8;
	[tilespmem:$0xF400] =	vst v63  }
0x98: {  	s10 =	simm.s32 $0x900  }
0x99: {  	[spmem:s2] =	stream.indirect.scatter.add.f32 [tilespmem:s1], [sflag:$0x1], $0x80, s10, s0, $0xb8;
	[tilespmem:$0xF400] =	vst v63  }
0x9a: {  	s10 =	simm.s32 $0x980  }
0x9b: {  	[spmem:s2] =	stream.indirect.scatter.add.f32 [tilespmem:s1], [sflag:$0x1], $0x80, s10, s0, $0xb8;
	[tilespmem:$0xF400] =	vst v63  }
0x9c: {  	s10 =	simm.s32 $0xA00  }
0x9d: {  	[spmem:s2] =	stream.indirect.scatter.add.f32 [tilespmem:s1], [sflag:$0x1], $0x80, s10, s0, $0xb8;
	[tilespmem:$0xF400] =	vst v63  }
0x9e: {  	s10 =	simm.s32 $0xA80  }
0x9f: {  	[spmem:s2] =	stream.indirect.scatter.add.f32 [tilespmem:s1], [sflag:$0x1], $0x80, s10, s0, $0xb8;
	[tilespmem:$0xF400] =	vst v63  }
0xa0: {  	s10 =	simm.s32 $0xB00  }
0xa1: {  	[spmem:s2] =	stream.indirect.scatter.add.f32 [tilespmem:s1], [sflag:$0x1], $0x80, s10, s0, $0xb8;
	[tilespmem:$0xF400] =	vst v63  }
0xa2: {  	s10 =	simm.s32 $0xB80  }
0xa3: {  	[spmem:s2] =	stream.indirect.scatter.add.f32 [tilespmem:s1], [sflag:$0x1], $0x80, s10, s0, $0xb8;
	[tilespmem:$0xF400] =	vst v63  }
0xa4: {  	s10 =	simm.s32 $0xC00  }
0xa5: {  	[spmem:s2] =	stream.indirect.scatter.add.f32 [tilespmem:s1], [sflag:$0x1], $0x80, s10, s0, $0xb8;
	[tilespmem:$0xF400] =	vst v63  }
0xa6: {  	s10 =	simm.s32 $0xC80  }
0xa7: {  	[spmem:s2] =	stream.indirect.scatter.add.f32 [tilespmem:s1], [sflag:$0x1], $0x80, s10, s0, $0xb8;
	[tilespmem:$0xF400] =	vst v63  }
0xa8: {  	s10 =	simm.s32 $0xD00  }
0xa9: {  	[spmem:s2] =	stream.indirect.scatter.add.f32 [tilespmem:s1], [sflag:$0x1], $0x80, s10, s0, $0xb8;
	[tilespmem:$0xF400] =	vst v63  }
0xaa: {  	s10 =	simm.s32 $0xD80  }
0xab: {  	[spmem:s2] =	stream.indirect.scatter.add.f32 [tilespmem:s1], [sflag:$0x1], $0x80, s10, s0, $0xb8;
	[tilespmem:$0xF400] =	vst v63  }
0xac: {  	s10 =	simm.s32 $0xE00  }
0xad: {  	[spmem:s2] =	stream.indirect.scatter.add.f32 [tilespmem:s1], [sflag:$0x1], $0x80, s10, s0, $0xb8;
	[tilespmem:$0xF400] =	vst v63  }
0xae: {  	s10 =	simm.s32 $0xE80  }
0xaf: {  	[spmem:s2] =	stream.indirect.scatter.add.f32 [tilespmem:s1], [sflag:$0x1], $0x80, s10, s0, $0xb8;
	[tilespmem:$0xF400] =	vst v63  }
0xb0: {  	s10 =	simm.s32 $0xF00  }
0xb1: {  	[spmem:s2] =	stream.indirect.scatter.add.f32 [tilespmem:s1], [sflag:$0x1], $0x80, s10, s0, $0xb8;
	[tilespmem:$0xF400] =	vst v63  }
0xb2: {  	s10 =	simm.s32 $0xF80  }
0xb3: {  	[spmem:s2] =	stream.indirect.scatter.add.f32 [tilespmem:s1], [sflag:$0x1], $0x80, s10, s0, $0xb8;
	[tilespmem:$0xF400] =	vst v63  }
0xb4: {  	s10 =	simm.s32 $0x1000  }
0xb5: {  	[spmem:s2] =	stream.indirect.scatter.add.f32 [tilespmem:s1], [sflag:$0x1], $0x80, s10, s0, $0xb8;
	[tilespmem:$0xF400] =	vst v63  }
0xb6: {  	s10 =	simm.s32 $0x1080  }
0xb7: {  	[spmem:s2] =	stream.indirect.scatter.add.f32 [tilespmem:s1], [sflag:$0x1], $0x80, s10, s0, $0xb8;
	[tilespmem:$0xF400] =	vst v63  }
0xb8: {  	s10 =	simm.s32 $0x1100  }
0xb9: {  	[spmem:s2] =	stream.indirect.scatter.add.f32 [tilespmem:s1], [sflag:$0x1], $0x80, s10, s0, $0xb8;
	[tilespmem:$0xF400] =	vst v63  }
0xba: {  	s10 =	simm.s32 $0x1180  }
0xbb: {  	[spmem:s2] =	stream.indirect.scatter.add.f32 [tilespmem:s1], [sflag:$0x1], $0x80, s10, s0, $0xb8;
	[tilespmem:$0xF400] =	vst v63  }
0xbc: {  	s10 =	simm.s32 $0x1200  }
0xbd: {  	[spmem:s2] =	stream.indirect.scatter.add.f32 [tilespmem:s1], [sflag:$0x1], $0x80, s10, s0, $0xb8;
	[tilespmem:$0xF400] =	vst v63  }
0xbe: {  	s10 =	simm.s32 $0x1280  }
0xbf: {  	[spmem:s2] =	stream.indirect.scatter.add.f32 [tilespmem:s1], [sflag:$0x1], $0x80, s10, s0, $0xb8;
	[tilespmem:$0xF400] =	vst v63  }
0xc0: {  	s10 =	simm.s32 $0x1300  }
0xc1: {  	[spmem:s2] =	stream.indirect.scatter.add.f32 [tilespmem:s1], [sflag:$0x1], $0x80, s10, s0, $0xb8;
	[tilespmem:$0xF400] =	vst v63  }
0xc2: {  	s10 =	simm.s32 $0x1380  }
0xc3: {  	[spmem:s2] =	stream.indirect.scatter.add.f32 [tilespmem:s1], [sflag:$0x1], $0x80, s10, s0, $0xb8;
	[tilespmem:$0xF400] =	vst v63  }
0xc4: {  	_ =	swait.ge [sflag:s5], $0x4000  }
0xc5: {  	s10 =	simm.s32 $0x27;
	[sflag:s5] =	ssyncset.done $0x0  }
.LBB2_2:
0xc6: {  	p0 =	sne.s32 s10, $0x1;
	s10 =	sadd.s32 $0xFFFFFFFF, s10;
	[sflag:s5] =	ssyncadd.s32 $0xFFFFC000  }
.Ltmp0:
0xc7: {  	(pc) =	sbr.rel @p0 .LBB2_2-.Ltmp0, $3  }
0xc8: {  	_ =	sdelay $0x1  }
0xc9: {  	_ =	swait.ge [sflag:s5], $0x4000  }
0xca: {  	[sflag:s5] =	ssyncset.done $0x0  }
0xcb: {  	[sflag:s5] =	ssyncadd.s32 $0xFFFFC000  }
0xcc: {  	[bflag:$0x0] =	sbarrier.arrive $0xFFFF  }
0xcd: {  	s10 =	rddreg [dreg:$0x5]  }
0xce: {  	[hbm:s10], [sflag:s7] =	dma.local [spmem:s9], $0x1400  }
0xcf: {  	_ =	swait.ge [sflag:s31], $0x1400  }
0xd0: {  	s8 =	sadd.s32 $0x1, s8;
	s10 =	rddreg [dreg:$0x6]  }
0xd1: {  	p0 =	sne.s32 s8, s10  }
.Ltmp1:
0xd2: {  	_ = 	snop;
	(pc) =	sbr.rel @p0 .LBB2_1-.Ltmp1, $3  }
0xd3: {  	_ =	sdelay $0x1  }
0xd4: {  	[sflag:s31] =	ssyncset.done $0x0  }
0xd5: {  	[sflag:s31] =	ssyncadd.s32 $0xFFFFEC00  }
0xd6: {  	_ =	sfence.sel $0x180000  }
0xd7: {  	[bflag:$0x0] =	sbarrier.arrive $0xFFFF  }
0xd8: {  	_ =	strace $0x9000004A  }
0xd9: {  	s0 =	stileid.u32;
	[bflag:$0x2] =	sbarrier.arrive $0xFFFF  }
0xda: {  	p0 =	sne.s32 s0, $0x0;
	s0 =	rddreg [dreg:$0x2]  }
0xdb: {  	s0 =	sadd.s32 @!p0 $0x100000, s0  }
0xdc: {  	[sflag:s0] =	ssyncadd.tile.s32 @!p0 $0x1;
	_ =	shalt  }
.Lfunc_end2:
_tile_overlayer_lowered:
.L_overlay_start_2:
0xdd: {  	(tag) =	ssettag $0x2  }
0xde: {  	s0 =	rddreg [dreg:$0x0];
	s2 =	stileid.u32  }
0xdf: {  	s1 =	rddreg [dreg:$0x1];
	p0 =	sne.s32 s2, $0x0  }
0xe0: {  	s3 =	rddreg [dreg:$0x2];
	[bflag:$0x3] =	sbarrier.arrive $0xFFFF;
	s2 =	simm.s32 @!p0 $0x1C02  }
0xe1: {  	[timem:s3], [sflag:s2] =	dma.local @!p0 [hbm:s0], s1  }
0xe2: {  	s0 =	simm.s32 @!p0 $0x2  }
0xe3: {  	_ =	swait.ge @!p0 [sflag:s0], s1  }
0xe4: {  	s1 =	ssub.s32 @!p0 $0x0, s1;
	[sflag:s0] =	ssyncset.done @!p0 $0x0  }
0xe5: {  	[sflag:s0] =	ssyncadd.s32 @!p0 s1  }
0xe6: {  	[bflag:$0x3] =	sbarrier.arrive $0xFFFF  }
0xe7: {  	_ =	shalt  }

// kernel: kernel.13.cloned.1.call-start
scs
__scs_entry_jumppad:
0x0: {  	(pc) =	sbr.rel $0x88, $3  }
0x1: {  	(tag) =	ssettag $0x0;
	lr =	simm.s32 $0x1  }
0x2: {  	[smem:$0x3F98] =	sst lr;
	_ =	strace $0xD0000000  }
0x3: {  	_ = 	snop  }
0x4: {  	_ = 	snop  }
0x5: {  	_ = 	snop  }
0x6: {  	_ = 	snop  }
0x7: {  	_ = 	snop  }
__scs_overlays_trampoline_lowered:
0x8: {  	[smem:$0x3FA7] =	sst s0  }
0x9: {  	[smem:$0x3FA8] =	sst s1  }
0xa: {  	[smem:$0x3FA9] =	sst s2  }
0xb: {  	[smem:$0x3FAA] =	sst s3  }
0xc: {  	[smem:$0x3FAB] =	sst s4  }
0xd: {  	[smem:$0x3FAC] =	sst s5  }
0xe: {  	[smem:$0x3FAD] =	sst s6  }
0xf: {  	[smem:$0x3FAE] =	sst s7  }
0x10: {  	[smem:$0x3FAF] =	sst s8  }
0x11: {  	[smem:$0x3FB0] =	sst s9;
	s0 =	simm.s32 @!p0 $0x0  }
0x12: {  	s1 =	sld [smem:$0x3F96];
	s0 =	simm.s32 @p0 $0x1  }
0x13: {  	[smem:$0x3FB1] =	sst s0;
	s0 =	simm.s32 @!p1 $0x0  }
0x14: {  	s2 =	sld [smem:$0x3F95];
	s0 =	simm.s32 @p1 $0x1  }
0x15: {  	[smem:$0x3FB2] =	sst s0;
	s0 =	simm.s32 @!p2 $0x0  }
0x16: {  	s3 =	sld [smem:$0x3FDB];
	s0 =	simm.s32 @p2 $0x1  }
0x17: {  	s4 =	simm.s32 $0x1BF5;
	[smem:$0x3FB4] =	sst s0  }
0x18: {  	s0 =	sld [smem:$0x3F97];
	_ =	swait.ge [sflag:s4], $0x0  }
0x19: {  	s7 =	sld [smem:$0x3F98]  }
0x1a: {  	s8 =	sadd.s32 $0xFFFFE003, lr  }
0x1b: {  	s9 =	sadd.s32 $0xFFFFFEF7, lr;
	s5 =	simm.s32 $0xFFFFFFFF;
	p2 =	slt.u32 s8, $0xFFFFF086  }
0x1c: {  	p1 =	slt.u32 s9, $0xF7A;
	s5 =	simm.s32 @!p2 $0x0  }
0x1d: {  	s5 =	simm.s32 @p1 $0x1;
	p0 =	seq.s32 s7, s2  }
0x1e: {  	s7 =	smul.u32 @!p0 $0xF7A, s2;
	p2 =	seq.s32 @!p0 s5, $0x0  }
0x1f: {  	s9 =	smul.u32 $0xF7A, s1;
	s8 =	simm.s32 @!p0 $0x1BF5;
	p2 =	por !p2, p0  }
0x20: {  	[sflag:s8] =	ssyncset.s32 @!p0 $0xFFFFF086;
	s6 =	sadd.s32 @!p0 s3, s7;
	s7 =	simm.s32 @!p0 $0x108  }
0x21: {  	s3 =	sadd.s32 s3, s9;
	s6 =	sadd.s32 @!p0 $0x88, s6;
	s7 =	simm.s32 @p2 $0x1082  }
0x22: {  	[simem:s7], [sflag:s8] =	dma.local @!p0 [hbm:s6], $0xF7A  }
0x23: {  	s9 =	sor.u32 $0xD0000000, s2;
	s6 =	simm.s32 $0x108;
	_ =	swait.ge @!p0 [sflag:s8], $0x0  }
0x24: {  	s3 =	sadd.s32 $0x88, s3;
	s6 =	simm.s32 @!p1 $0x1082;
	[sflag:s4] =	ssyncset.s32 $0xFFFFF086  }
0x25: {  	[simem:s6], [sflag:s4] =	dma.local [hbm:s3], $0xF7A  }
0x26: {  	[smem:$0x3F98] =	sst s1;
	(tag) =	ssettag s2;
	_ =	strace s9  }
0x27: {  	s1 =	sld [smem:$0x3FA8]  }
0x28: {  	s2 =	sld [smem:$0x3FA9]  }
0x29: {  	s4 =	sld [smem:$0x3FAB]  }
0x2a: {  	p0 =	seq.s32 s5, $0x0;
	s5 =	sld [smem:$0x3FAC]  }
0x2b: {  	s6 =	sld [smem:$0x3FAD]  }
0x2c: {  	s7 =	sld [smem:$0x3FAE]  }
0x2d: {  	s3 =	simm.s32 $0x108;
	s8 =	sld [smem:$0x3FAF]  }
0x2e: {  	s3 =	simm.s32 @!p0 $0x1082;
	s9 =	sld [smem:$0x3FB0]  }
0x2f: {  	lr =	sadd.s32 s0, s3;
	s0 =	sld [smem:$0x3FA7]  }
0x30: {  	s3 =	sld [smem:$0x3FAA]  }
0x31: {  	[smem:$0x3FB3] =	sst s10  }
0x32: {  	s10 =	sld [smem:$0x3FB1];
	_ =	sdelay $0x3  }
0x33: {  	p0 =	seq.s32 s10, $0x1;
	s10 =	sld [smem:$0x3FB3];
	_ =	sdelay $0x3  }
0x34: {  	[smem:$0x3FB3] =	sst s10  }
0x35: {  	s10 =	sld [smem:$0x3FB2];
	_ =	sdelay $0x3  }
0x36: {  	p1 =	seq.s32 s10, $0x1;
	s10 =	sld [smem:$0x3FB3];
	_ =	sdelay $0x3  }
0x37: {  	[smem:$0x3FB3] =	sst s10  }
0x38: {  	s10 =	sld [smem:$0x3FB4]  }
0x39: {  	_ = 	snop;
	(pc) =	sbr.ind lr, $3  }
0x3a: {  	_ = 	snop  }
0x3b: {  	_ = 	snop  }
0x3c: {  	p2 =	seq.s32 s10, $0x1;
	s10 =	sld [smem:$0x3FB3]  }
0x3d: {  	_ =	shalt  }
0x3e: {  	_ =	shalt  }
0x3f: {  	_ =	shalt  }
0x40: {  	_ =	shalt  }
0x41: {  	_ =	shalt  }
0x42: {  	_ =	shalt  }
0x43: {  	_ =	shalt  }
0x44: {  	_ =	shalt  }
0x45: {  	_ =	shalt  }
0x46: {  	_ =	shalt  }
0x47: {  	_ =	shalt  }
0x48: {  	_ =	shalt  }
0x49: {  	_ =	shalt  }
0x4a: {  	_ =	shalt  }
0x4b: {  	_ =	shalt  }
0x4c: {  	_ =	shalt  }
0x4d: {  	_ =	shalt  }
0x4e: {  	_ =	shalt  }
0x4f: {  	_ =	shalt  }
0x50: {  	_ =	shalt  }
0x51: {  	_ =	shalt  }
0x52: {  	_ =	shalt  }
0x53: {  	_ =	shalt  }
0x54: {  	_ =	shalt  }
0x55: {  	_ =	shalt  }
0x56: {  	_ =	shalt  }
0x57: {  	_ =	shalt  }
0x58: {  	_ =	shalt  }
0x59: {  	_ =	shalt  }
0x5a: {  	_ =	shalt  }
0x5b: {  	_ =	shalt  }
0x5c: {  	_ =	shalt  }
0x5d: {  	_ =	shalt  }
0x5e: {  	_ =	shalt  }
0x5f: {  	_ =	shalt  }
0x60: {  	_ =	shalt  }
0x61: {  	_ =	shalt  }
0x62: {  	_ =	shalt  }
0x63: {  	_ =	shalt  }
0x64: {  	_ =	shalt  }
0x65: {  	_ =	shalt  }
0x66: {  	_ =	shalt  }
0x67: {  	_ =	shalt  }
0x68: {  	_ =	shalt  }
0x69: {  	_ =	shalt  }
0x6a: {  	_ =	shalt  }
0x6b: {  	_ =	shalt  }
0x6c: {  	_ =	shalt  }
0x6d: {  	_ =	shalt  }
0x6e: {  	_ =	shalt  }
0x6f: {  	_ =	shalt  }
0x70: {  	_ =	shalt  }
0x71: {  	_ =	shalt  }
0x72: {  	_ =	shalt  }
0x73: {  	_ =	shalt  }
0x74: {  	_ =	shalt  }
0x75: {  	_ =	shalt  }
0x76: {  	_ =	shalt  }
0x77: {  	_ =	shalt  }
0x78: {  	_ =	shalt  }
0x79: {  	_ =	shalt  }
0x7a: {  	_ =	shalt  }
0x7b: {  	_ =	shalt  }
0x7c: {  	_ =	shalt  }
0x7d: {  	_ =	shalt  }
0x7e: {  	_ =	shalt  }
0x7f: {  	_ =	shalt  }
0x80: {  	_ =	shalt  }
0x81: {  	_ =	shalt  }
0x82: {  	_ =	shalt  }
0x83: {  	_ =	shalt  }
0x84: {  	_ =	shalt  }
0x85: {  	_ =	shalt  }
0x86: {  	_ =	shalt  }
0x87: {  	_ =	shalt  }
.Lfunc_end0:
.L_simem_size_0:
called_computation.2_lowered:
.L_overlay_start_0:
0x88: {  	s2 =	sld [smem:$0x3FD9]  }
0x89: {  	s3 =	sld [smem:$0x3FFE];
	_ =	sdelay $0x1  }
0x8a: {  	s1 =	srdreg.scid  }
0x8b: {  	s0 =	sand.u32 $0x1, s1  }
0x8c: {  	s17 =	sshll.u32 s0, $0xA;
	s2 =	sadd.s32 s3, s2  }
0x8d: {  	s2 =	sadd.s32 s2, s17  }
0x8e: {  	[smem:$0x3FBF] =	sst s2  }
0x8f: {  	_ = 	snop  }
0x90: {  	s2 =	sld [smem:$0x3FD0];
	(tm) =	ssettm $0x1  }
0x91: {  	s18 =	sld [smem:$0x3FFB];
	_ =	sdelay $0x3  }
0x92: {  	_ =	strace s18  }
0x93: {  	s3 =	sld [smem:$0x3FFC];
	_ =	sdelay $0x3  }
0x94: {  	_ =	strace s3  }
0x95: {  	s3 =	sld [smem:$0x3FFD];
	_ =	sdelay $0x3  }
0x96: {  	_ =	strace s3  }
0x97: {  	_ =	strace $0x8FFFFFFF  }
0x98: {  	s19 =	sld [smem:$0x3FDB];
	_ =	sdelay $0x1  }
0x99: {  	s4 =	simm.s32 $_scs_section_size  }
0x9a: {  	s5 =	simm.s32 $_size__tile_overlayer_lowered;
	s6 =	simm.s32 $_tile_overlayer_lowered  }
0x9b: {  	s22 =	simm.s32 $0x1BFF;
	s21 =	sshll.u32 s6, $0x1;
	s3 =	sadd.s32 s4, s19  }
0x9c: {  	s7 =	simm.s32 $0x0;
	s20 =	sshll.u32 s5, $0x1;
	s5 =	sadd.s32 s21, s3  }
0x9d: {  	[timem:s7], [sflag:s22] =	dma.local [hbm:s5], s20  }
0x9e: {  	_ =	swait.ge [sflag:s22], s20  }
0x9f: {  	s4 =	ssub.s32 $0x0, s20;
	[sflag:s22] =	ssyncset.done $0x0  }
0xa0: {  	[sflag:s22] =	ssyncadd.s32 s4;
	_ =	sdelay $0x1  }
0xa1: {  	s23 =	simm.s32 $0x1B8B  }
0xa2: {  	_ =	swait.ge [sflag:s23], $0x1  }
0xa3: {  	[sflag:s23] =	ssyncset.done $0x0  }
0xa4: {  	s25 =	simm.s32 $0x1B8E;
	s24 =	sld [smem:$0x3FFE];
	[sflag:s23] =	ssyncadd.s32 $0xFFFFFFFF  }
0xa5: {  	s26 =	simm.s32 $execute0_lowered;
	[smem:$0x3FD2] =	sst s25  }
0xa6: {  	s5 =	sshll.u32 s26, $0x1;
	_ =	strace $0x8000004C;
	[dreg:$0x1] =	wrdreg $0xFFFFFFFF  }
0xa7: {  	s28 =	simm.s32 $_size_execute0_lowered;
	s3 =	sadd.s32 s3, s5;
	[dreg:$0x0] =	wrdreg $0x0  }
0xa8: {  	s5 =	sshll.u32 s28, $0x1;
	[dreg:$0x2] =	wrdreg s3  }
0xa9: {  	[dreg:$0x3] =	wrdreg s5  }
0xaa: {  	[dreg:$0x4] =	wrdreg $0xC0  }
0xab: {  	_ =	task [dreg:s7], $0x5FFFF  }
0xac: {  	[dreg:$0x1] =	wrdreg $0xFFFFFFFF  }
0xad: {  	[dreg:$0x0] =	wrdreg $0x60  }
0xae: {  	[dreg:$0x2] =	wrdreg s24  }
0xaf: {  	[dreg:$0x3] =	wrdreg s2  }
0xb0: {  	[dreg:$0x4] =	wrdreg $0x108000  }
0xb1: {  	[dreg:$0x5] =	wrdreg $0x9  }
0xb2: {  	_ =	task.clear_ibuf [dreg:s7], $0x6FFFF;
	_ =	strace $0x9000004C  }
0xb3: {  	s29 =	simm.s32 $0x9;
	_ =	strace $0x8000004E  }
0xb4: {  	_ =	swait.ge [sflag:s29], $0x1  }
0xb5: {  	[sflag:s29] =	ssyncadd.s32 $0xFFFFFFFF  }
0xb6: {  	_ =	strace $0x9000004E  }
0xb7: {  	_ =	sfence  }
0xb8: {  	s30 =	sld [smem:$0x0];
	_ =	sdelay $0x2  }
0xb9: {  	s31 =	sshll.u32 s1, $0xD;
	s1 =	sshrl.u32 s1, $0x2  }
0xba: {  	s3 =	sand.u32 $0x4000, s31;
	s1 =	sadd.s32 s1, s30  }
0xbb: {  	s0 =	sor.u32 s3, s0;
	s1 =	sshll.u32 s1, $0x11  }
0xbc: {  	s0 =	sor.u32 s1, s0  }
0xbd: {  	s0 =	sadd.s32 $0x8F2B, s0  }
0xbe: {  	[sflag:s0] =	ssyncadd.remote.s32 $0x1  }
0xbf: {  	_ =	sfence.sel $0xFFFF  }
0xc0: {  	[dreg:$0x0] =	wrdreg $0xFFFFFFFF;
	(pc) =	sbr.abs _section_cstart, $3  }
0xc1: {  	[dreg:$0x1] =	wrdreg $0xFFFFFFFF  }
0xc2: {  	_ =	task.clear_ibuf [dreg:s7], $0x2FFFF;
	_ =	strace $0x9FFFFFFF  }
0xc3: {  	(tm) =	ssettm $0x7FFFFFFF  }
tec
execute0_lowered:
.L_overlay_start_1:
0x0: {  	(tag) =	ssettag $0x1  }
0x1: {  	s10 =	rddreg [dreg:$0x0]  }
0x2: {  	s5 =	rddreg [dreg:$0x1]  }
0x3: {  	s2 =	rddreg [dreg:$0x2]  }
0x4: {  	s0 =	srdreg.scid;
	s3 =	simm.s32 $0x0;
	s1 =	stileid.u32  }
0x5: {  	s0 =	sand.u32 $0x1, s0;
	[smem:$0x7FF] =	sst s3;
	s4 =	sshll.u32 s1, $0x8  }
0x6: {  	s8 =	sshll.u32 s1, $0xA;
	s9 =	sshll.u32 s1, $0xD;
	s11 =	sshll.u32 s1, $0x6  }
0x7: {  	s6 =	sshll.u32 s0, $0x7;
	_ =	strace $0x8000004D;
	s8 =	sadd.s32 s8, s10  }
0x8: {  	s9 =	sadd.s32 s9, s2;
	s12 =	sshll.u32 s0, $0xE;
	s6 =	sor.u32 s6, s4  }
0x9: {  	s17 =	sadd.s32 s12, s8;
	s19 =	sadd.s32 $0x800, s9;
	s5 =	sadd.s32 s5, s6  }
0xa: {  	s20 =	sadd.s32 $0x1000, s9;
	s18 =	sadd.s32 $0x2600, s17;
	[dreg:$0x5] =	wrdreg s5  }
0xb: {  	s7 =	sadd.s32 s6, s10;
	s6 =	sshrl.u32 s19, $0x3;
	[dreg:$0x6] =	wrdreg s18  }
0xc: {  	s4 =	sadd.s32 $0xC600, s10;
	s21 =	sshrl.u32 s20, $0x3;
	[dreg:$0x7] =	wrdreg s6  }
0xd: {  	s7 =	sadd.s32 $0x5D000, s7;
	s5 =	sor.u32 $0x1C03, s11;
	[dreg:$0x8] =	wrdreg s21  }
0xe: {  	s6 =	simm.s32 $0x3;
	[dreg:$0x4] =	wrdreg s7;
	s7 =	sshrl.u32 s9, $0x3  }
0xf: {  	[spmem:s7], [sflag:s5] =	dma.local [hbm:s4], $0x100  }
0x10: {  	_ =	swait.ge [sflag:s6], $0x100  }
0x11: {  	[sflag:s6] =	ssyncset.done $0x0  }
0x12: {  	s22 =	rddreg [dreg:$0x7];
	[sflag:s6] =	ssyncadd.s32 $0xFFFFFF00  }
0x13: {  	[spmem:s22], [sflag:s5] =	dma.local [hbm:s4], $0x100  }
0x14: {  	_ =	swait.ge [sflag:s6], $0x100  }
0x15: {  	[sflag:s6] =	ssyncset.done $0x0  }
0x16: {  	s23 =	rddreg [dreg:$0x8];
	[sflag:s6] =	ssyncadd.s32 $0xFFFFFF00  }
0x17: {  	[spmem:s23], [sflag:s5] =	dma.local [hbm:s4], $0x100  }
0x18: {  	_ =	swait.ge [sflag:s6], $0x100  }
0x19: {  	s24 =	sadd.s32 $0x1800, s9;
	[sflag:s6] =	ssyncset.done $0x0  }
0x1a: {  	s8 =	sshrl.u32 s24, $0x3;
	[sflag:s6] =	ssyncadd.s32 $0xFFFFFF00  }
0x1b: {  	[spmem:s8], [sflag:s5] =	dma.local [hbm:s4], $0x100  }
0x1c: {  	_ =	swait.ge [sflag:s6], $0x100  }
0x1d: {  	[sflag:s6] =	ssyncset.done $0x0  }
0x1e: {  	s25 =	rddreg [dreg:$0x4];
	[sflag:s6] =	ssyncadd.s32 $0xFFFFFF00  }
0x1f: {  	[tilespmem:s3], [sflag:$0x3] =	stream.linear.gather [hbm4b:s25+s3], $0x400, $0x38;
	[tilespmem:$0x12800] =	vst v63  }
0x20: {  	_ =	swait.ge [sflag:s6], $0x400  }
0x21: {  	[sflag:s6] =	ssyncset.done $0x0  }
0x22: {  	s9 =	simm.s32 $0x400;
	s26 =	rddreg [dreg:$0x5];
	[sflag:s6] =	ssyncadd.s32 $0xFFFFFC00  }
0x23: {  	[tilespmem:s9], [sflag:$0x3] =	stream.linear.gather [hbm4b:s26+s3], $0x400, $0x38;
	[tilespmem:$0x12800] =	vst v63  }
0x24: {  	_ =	swait.ge [sflag:s6], $0x400  }
0x25: {  	[sflag:s6] =	ssyncset.done $0x0  }
0x26: {  	s12 =	simm.s32 $0x800;
	[sflag:s6] =	ssyncadd.s32 $0xFFFFFC00  }
0x27: {  	s10 =	sadd.s32 $0xC800, s10;
	s11 =	simm.s32 $0x80;
	[bflag:$0x0] =	sbarrier.arrive $0xFFFF  }
0x28: {  	[tilespmem:s12], [sflag:$0x1] =	stream.indirect.gather [hbm4b:s10+s11], $0x80, s3, s11, $0xb8;
	[tilespmem:$0x12800] =	vst v63  }
0x29: {  	s13 =	simm.s32 $0x4800;
	s14 =	simm.s32 $0x1  }
0x2a: {  	[tilespmem:s13], [sflag:$0x1] =	stream.indirect.gather [hbm4b:s10+s11], $0x80, s11, s11, $0xb8;
	[tilespmem:$0x12800] =	vst v63  }
0x2b: {  	_ =	swait.ge [sflag:s14], $0x4000  }
0x2c: {  	[sflag:s14] =	ssyncset.done $0x0  }
0x2d: {  	[sflag:s14] =	ssyncadd.s32 $0xFFFFC000  }
0x2e: {  	[spmem:s2] =	stream.indirect.scatter.add.f32 [tilespmem:s12], [sflag:$0x2], $0x80, s9, s11, $0xb8;
	[tilespmem:$0x12800] =	vst v63  }
0x2f: {  	s15 =	simm.s32 $0x100;
	s16 =	simm.s32 $0x8800  }
0x30: {  	[tilespmem:s16], [sflag:$0x1] =	stream.indirect.gather [hbm4b:s10+s11], $0x80, s15, s11, $0xb8;
	[tilespmem:$0x12800] =	vst v63  }
0x31: {  	_ =	swait.ge [sflag:s14], $0x4000  }
0x32: {  	[sflag:s14] =	ssyncset.done $0x0  }
0x33: {  	s17 =	simm.s32 $0x480;
	[sflag:s14] =	ssyncadd.s32 $0xFFFFC000  }
0x34: {  	[spmem:s2] =	stream.indirect.scatter.add.f32 [tilespmem:s13], [sflag:$0x2], $0x80, s17, s11, $0xb8;
	[tilespmem:$0x12800] =	vst v63  }
0x35: {  	s19 =	simm.s32 $0xC800;
	s18 =	simm.s32 $0x180  }
0x36: {  	[tilespmem:s19], [sflag:$0x1] =	stream.indirect.gather [hbm4b:s10+s11], $0x80, s18, s11, $0xb8;
	[tilespmem:$0x12800] =	vst v63  }
0x37: {  	_ =	swait.ge [sflag:s14], $0x4000  }
0x38: {  	[sflag:s14] =	ssyncset.done $0x0  }
0x39: {  	s20 =	simm.s32 $0x500;
	s21 =	simm.s32 $0x2;
	[sflag:s14] =	ssyncadd.s32 $0xFFFFC000  }
0x3a: {  	[spmem:s2] =	stream.indirect.scatter.add.f32 [tilespmem:s16], [sflag:$0x2], $0x80, s20, s11, $0xb8;
	[tilespmem:$0x12800] =	vst v63  }
0x3b: {  	_ =	swait.ge [sflag:s21], $0x4000  }
0x3c: {  	[sflag:s21] =	ssyncset.done $0x0  }
0x3d: {  	s22 =	simm.s32 $0x200;
	[sflag:s21] =	ssyncadd.s32 $0xFFFFC000  }
0x3e: {  	[tilespmem:s12], [sflag:$0x1] =	stream.indirect.gather [hbm4b:s10+s11], $0x80, s22, s11, $0xb8;
	[tilespmem:$0x12800] =	vst v63  }
0x3f: {  	_ =	swait.ge [sflag:s14], $0x4000  }
0x40: {  	[sflag:s14] =	ssyncset.done $0x0  }
0x41: {  	s23 =	simm.s32 $0x580;
	[sflag:s14] =	ssyncadd.s32 $0xFFFFC000  }
0x42: {  	[spmem:s2] =	stream.indirect.scatter.add.f32 [tilespmem:s19], [sflag:$0x2], $0x80, s23, s11, $0xb8;
	[tilespmem:$0x12800] =	vst v63  }
0x43: {  	_ =	swait.ge [sflag:s21], $0x4000  }
0x44: {  	[sflag:s21] =	ssyncset.done $0x0  }
0x45: {  	s24 =	simm.s32 $0x280;
	[sflag:s21] =	ssyncadd.s32 $0xFFFFC000  }
0x46: {  	[tilespmem:s13], [sflag:$0x1] =	stream.indirect.gather [hbm4b:s10+s11], $0x80, s24, s11, $0xb8;
	[tilespmem:$0x12800] =	vst v63  }
0x47: {  	_ =	swait.ge [sflag:s14], $0x4000  }
0x48: {  	[sflag:s14] =	ssyncset.done $0x0  }
0x49: {  	s25 =	simm.s32 $0x600;
	[sflag:s14] =	ssyncadd.s32 $0xFFFFC000  }
0x4a: {  	[spmem:s2] =	stream.indirect.scatter.add.f32 [tilespmem:s12], [sflag:$0x2], $0x80, s25, s11, $0xb8;
	[tilespmem:$0x12800] =	vst v63  }
0x4b: {  	_ =	swait.ge [sflag:s21], $0x4000  }
0x4c: {  	[sflag:s21] =	ssyncset.done $0x0  }
0x4d: {  	s26 =	simm.s32 $0x300;
	[sflag:s21] =	ssyncadd.s32 $0xFFFFC000  }
0x4e: {  	[tilespmem:s16], [sflag:$0x1] =	stream.indirect.gather [hbm4b:s10+s11], $0x80, s26, s11, $0xb8;
	[tilespmem:$0x12800] =	vst v63  }
0x4f: {  	_ =	swait.ge [sflag:s14], $0x4000  }
0x50: {  	[sflag:s14] =	ssyncset.done $0x0  }
0x51: {  	s28 =	simm.s32 $0x680;
	[sflag:s14] =	ssyncadd.s32 $0xFFFFC000  }
0x52: {  	[spmem:s2] =	stream.indirect.scatter.add.f32 [tilespmem:s13], [sflag:$0x2], $0x80, s28, s11, $0xb8;
	[tilespmem:$0x12800] =	vst v63  }
0x53: {  	_ =	swait.ge [sflag:s21], $0x4000  }
0x54: {  	[sflag:s21] =	ssyncset.done $0x0  }
0x55: {  	s29 =	simm.s32 $0x380;
	[sflag:s21] =	ssyncadd.s32 $0xFFFFC000  }
0x56: {  	[tilespmem:s19], [sflag:$0x1] =	stream.indirect.gather [hbm4b:s10+s11], $0x80, s29, s11, $0xb8;
	[tilespmem:$0x12800] =	vst v63  }
0x57: {  	_ =	swait.ge [sflag:s14], $0x4000  }
0x58: {  	[sflag:s14] =	ssyncset.done $0x0  }
0x59: {  	s30 =	simm.s32 $0x700;
	[sflag:s14] =	ssyncadd.s32 $0xFFFFC000  }
0x5a: {  	[spmem:s2] =	stream.indirect.scatter.add.f32 [tilespmem:s16], [sflag:$0x2], $0x80, s30, s11, $0xb8;
	[tilespmem:$0x12800] =	vst v63  }
0x5b: {  	_ =	swait.ge [sflag:s21], $0x4000  }
0x5c: {  	[sflag:s21] =	ssyncset.done $0x0  }
0x5d: {  	[sflag:s21] =	ssyncadd.s32 $0xFFFFC000  }
0x5e: {  	_ =	swait.ge [sflag:s14], $0x4000  }
0x5f: {  	[sflag:s14] =	ssyncset.done $0x0  }
0x60: {  	s31 =	simm.s32 $0x780;
	[sflag:s14] =	ssyncadd.s32 $0xFFFFC000  }
0x61: {  	[spmem:s2] =	stream.indirect.scatter.add.f32 [tilespmem:s19], [sflag:$0x2], $0x80, s31, s11, $0xb8;
	[tilespmem:$0x12800] =	vst v63  }
0x62: {  	_ =	swait.ge [sflag:s21], $0x4000  }
0x63: {  	[sflag:s21] =	ssyncset.done $0x0  }
0x64: {  	[sflag:s21] =	ssyncadd.s32 $0xFFFFC000  }
0x65: {  	_ =	swait.ge [sflag:s21], $0x4000  }
0x66: {  	[sflag:s21] =	ssyncset.done $0x0  }
0x67: {  	[sflag:s21] =	ssyncadd.s32 $0xFFFFC000  }
0x68: {  	_ =	swait.ge [sflag:s21], $0x4000  }
0x69: {  	[sflag:s21] =	ssyncset.done $0x0  }
0x6a: {  	[sflag:s21] =	ssyncadd.s32 $0xFFFFC000  }
0x6b: {  	[bflag:$0x0] =	sbarrier.arrive $0xFFFF  }
0x6c: {  	s0 =	ssub.s32 $0x2, s0;
	s1 =	rddreg [dreg:$0x6]  }
0x6d: {  	[dreg:$0x9] =	wrdreg s1;
	s1 =	sshrl.u32 s0, $0x1  }
0x6e: {  	s0 =	ssub.s32 s0, s1  }
0x6f: {  	s0 =	smax.u32 s0, $0x1  }
0x70: {  	p0 =	sne.s32 s0, $0x1  }
.Ltmp0:
0x71: {  	_ = 	snop;
	(pc) =	sbr.rel @!p0 .LBB2_2-.Ltmp0, $4  }
0x72: {  	s1 =	rddreg [dreg:$0x9]  }
0x73: {  	[hbm:s1], [sflag:s5] =	dma.local [spmem:s7], $0x400  }
0x74: {  	_ =	swait.ge [sflag:s6], $0x400  }
0x75: {  	s0 =	sadd.s32 $0xFFFFFFFF, s0;
	[sflag:s6] =	ssyncset.done $0x0  }
.LBB2_1:
0x76: {  	[sflag:s6] =	ssyncadd.s32 $0xFFFFFC00  }
0x77: {  	[spmem:s7], [sflag:s5] =	dma.local [hbm:s4], $0x100  }
0x78: {  	_ =	swait.ge [sflag:s6], $0x100  }
0x79: {  	[sflag:s6] =	ssyncset.done $0x0  }
0x7a: {  	s1 =	rddreg [dreg:$0x7];
	[sflag:s6] =	ssyncadd.s32 $0xFFFFFF00  }
0x7b: {  	[spmem:s1], [sflag:s5] =	dma.local [hbm:s4], $0x100  }
0x7c: {  	_ =	swait.ge [sflag:s6], $0x100  }
0x7d: {  	[sflag:s6] =	ssyncset.done $0x0  }
0x7e: {  	s1 =	rddreg [dreg:$0x8];
	[sflag:s6] =	ssyncadd.s32 $0xFFFFFF00  }
0x7f: {  	[spmem:s1], [sflag:s5] =	dma.local [hbm:s4], $0x100  }
0x80: {  	_ =	swait.ge [sflag:s6], $0x100  }
0x81: {  	[sflag:s6] =	ssyncset.done $0x0  }
0x82: {  	[sflag:s6] =	ssyncadd.s32 $0xFFFFFF00  }
0x83: {  	[spmem:s8], [sflag:s5] =	dma.local [hbm:s4], $0x100  }
0x84: {  	_ =	swait.ge [sflag:s6], $0x100  }
0x85: {  	[sflag:s6] =	ssyncset.done $0x0  }
0x86: {  	s1 =	rddreg [dreg:$0x4];
	[sflag:s6] =	ssyncadd.s32 $0xFFFFFF00  }
0x87: {  	[tilespmem:s3], [sflag:$0x3] =	stream.linear.gather [hbm4b:s1+s3], $0x400, $0x38;
	[tilespmem:$0x12800] =	vst v63  }
0x88: {  	_ =	swait.ge [sflag:s6], $0x400  }
0x89: {  	[sflag:s6] =	ssyncset.done $0x0  }
0x8a: {  	s1 =	rddreg [dreg:$0x5];
	[sflag:s6] =	ssyncadd.s32 $0xFFFFFC00  }
0x8b: {  	[tilespmem:s9], [sflag:$0x3] =	stream.linear.gather [hbm4b:s1+s3], $0x400, $0x38;
	[tilespmem:$0x12800] =	vst v63  }
0x8c: {  	_ =	swait.ge [sflag:s6], $0x400  }
0x8d: {  	[sflag:s6] =	ssyncset.done $0x0  }
0x8e: {  	[sflag:s6] =	ssyncadd.s32 $0xFFFFFC00  }
0x8f: {  	[bflag:$0x0] =	sbarrier.arrive $0xFFFF  }
0x90: {  	[tilespmem:s12], [sflag:$0x1] =	stream.indirect.gather [hbm4b:s10+s11], $0x80, s3, s11, $0xb8;
	[tilespmem:$0x12800] =	vst v63  }
0x91: {  	_ = 	snop  }
0x92: {  	[tilespmem:s13], [sflag:$0x1] =	stream.indirect.gather [hbm4b:s10+s11], $0x80, s11, s11, $0xb8;
	[tilespmem:$0x12800] =	vst v63  }
0x93: {  	_ =	swait.ge [sflag:s14], $0x4000  }
0x94: {  	[sflag:s14] =	ssyncset.done $0x0  }
0x95: {  	[sflag:s14] =	ssyncadd.s32 $0xFFFFC000  }
0x96: {  	[spmem:s2] =	stream.indirect.scatter.add.f32 [tilespmem:s12], [sflag:$0x2], $0x80, s9, s11, $0xb8;
	[tilespmem:$0x12800] =	vst v63  }
0x97: {  	_ = 	snop  }
0x98: {  	[tilespmem:s16], [sflag:$0x1] =	stream.indirect.gather [hbm4b:s10+s11], $0x80, s15, s11, $0xb8;
	[tilespmem:$0x12800] =	vst v63  }
0x99: {  	_ =	swait.ge [sflag:s14], $0x4000  }
0x9a: {  	[sflag:s14] =	ssyncset.done $0x0  }
0x9b: {  	[sflag:s14] =	ssyncadd.s32 $0xFFFFC000  }
0x9c: {  	[spmem:s2] =	stream.indirect.scatter.add.f32 [tilespmem:s13], [sflag:$0x2], $0x80, s17, s11, $0xb8;
	[tilespmem:$0x12800] =	vst v63  }
0x9d: {  	_ = 	snop  }
0x9e: {  	[tilespmem:s19], [sflag:$0x1] =	stream.indirect.gather [hbm4b:s10+s11], $0x80, s18, s11, $0xb8;
	[tilespmem:$0x12800] =	vst v63  }
0x9f: {  	_ =	swait.ge [sflag:s14], $0x4000  }
0xa0: {  	[sflag:s14] =	ssyncset.done $0x0  }
0xa1: {  	[sflag:s14] =	ssyncadd.s32 $0xFFFFC000  }
0xa2: {  	[spmem:s2] =	stream.indirect.scatter.add.f32 [tilespmem:s16], [sflag:$0x2], $0x80, s20, s11, $0xb8;
	[tilespmem:$0x12800] =	vst v63  }
0xa3: {  	_ =	swait.ge [sflag:s21], $0x4000  }
0xa4: {  	[sflag:s21] =	ssyncset.done $0x0  }
0xa5: {  	[sflag:s21] =	ssyncadd.s32 $0xFFFFC000  }
0xa6: {  	[tilespmem:s12], [sflag:$0x1] =	stream.indirect.gather [hbm4b:s10+s11], $0x80, s22, s11, $0xb8;
	[tilespmem:$0x12800] =	vst v63  }
0xa7: {  	_ =	swait.ge [sflag:s14], $0x4000  }
0xa8: {  	[sflag:s14] =	ssyncset.done $0x0  }
0xa9: {  	[sflag:s14] =	ssyncadd.s32 $0xFFFFC000  }
0xaa: {  	[spmem:s2] =	stream.indirect.scatter.add.f32 [tilespmem:s19], [sflag:$0x2], $0x80, s23, s11, $0xb8;
	[tilespmem:$0x12800] =	vst v63  }
0xab: {  	_ =	swait.ge [sflag:s21], $0x4000  }
0xac: {  	[sflag:s21] =	ssyncset.done $0x0  }
0xad: {  	[sflag:s21] =	ssyncadd.s32 $0xFFFFC000  }
0xae: {  	[tilespmem:s13], [sflag:$0x1] =	stream.indirect.gather [hbm4b:s10+s11], $0x80, s24, s11, $0xb8;
	[tilespmem:$0x12800] =	vst v63  }
0xaf: {  	_ =	swait.ge [sflag:s14], $0x4000  }
0xb0: {  	[sflag:s14] =	ssyncset.done $0x0  }
0xb1: {  	[sflag:s14] =	ssyncadd.s32 $0xFFFFC000  }
0xb2: {  	[spmem:s2] =	stream.indirect.scatter.add.f32 [tilespmem:s12], [sflag:$0x2], $0x80, s25, s11, $0xb8;
	[tilespmem:$0x12800] =	vst v63  }
0xb3: {  	_ =	swait.ge [sflag:s21], $0x4000  }
0xb4: {  	[sflag:s21] =	ssyncset.done $0x0  }
0xb5: {  	[sflag:s21] =	ssyncadd.s32 $0xFFFFC000  }
0xb6: {  	[tilespmem:s16], [sflag:$0x1] =	stream.indirect.gather [hbm4b:s10+s11], $0x80, s26, s11, $0xb8;
	[tilespmem:$0x12800] =	vst v63  }
0xb7: {  	_ =	swait.ge [sflag:s14], $0x4000  }
0xb8: {  	[sflag:s14] =	ssyncset.done $0x0  }
0xb9: {  	[sflag:s14] =	ssyncadd.s32 $0xFFFFC000  }
0xba: {  	[spmem:s2] =	stream.indirect.scatter.add.f32 [tilespmem:s13], [sflag:$0x2], $0x80, s28, s11, $0xb8;
	[tilespmem:$0x12800] =	vst v63  }
0xbb: {  	_ =	swait.ge [sflag:s21], $0x4000  }
0xbc: {  	[sflag:s21] =	ssyncset.done $0x0  }
0xbd: {  	[sflag:s21] =	ssyncadd.s32 $0xFFFFC000  }
0xbe: {  	[tilespmem:s19], [sflag:$0x1] =	stream.indirect.gather [hbm4b:s10+s11], $0x80, s29, s11, $0xb8;
	[tilespmem:$0x12800] =	vst v63  }
0xbf: {  	_ =	swait.ge [sflag:s14], $0x4000  }
0xc0: {  	[sflag:s14] =	ssyncset.done $0x0  }
0xc1: {  	[sflag:s14] =	ssyncadd.s32 $0xFFFFC000  }
0xc2: {  	[spmem:s2] =	stream.indirect.scatter.add.f32 [tilespmem:s16], [sflag:$0x2], $0x80, s30, s11, $0xb8;
	[tilespmem:$0x12800] =	vst v63  }
0xc3: {  	_ =	swait.ge [sflag:s21], $0x4000  }
0xc4: {  	[sflag:s21] =	ssyncset.done $0x0  }
0xc5: {  	[sflag:s21] =	ssyncadd.s32 $0xFFFFC000  }
0xc6: {  	_ =	swait.ge [sflag:s14], $0x4000  }
0xc7: {  	[sflag:s14] =	ssyncset.done $0x0  }
0xc8: {  	[sflag:s14] =	ssyncadd.s32 $0xFFFFC000  }
0xc9: {  	[spmem:s2] =	stream.indirect.scatter.add.f32 [tilespmem:s19], [sflag:$0x2], $0x80, s31, s11, $0xb8;
	[tilespmem:$0x12800] =	vst v63  }
0xca: {  	_ =	swait.ge [sflag:s21], $0x4000  }
0xcb: {  	[sflag:s21] =	ssyncset.done $0x0  }
0xcc: {  	[sflag:s21] =	ssyncadd.s32 $0xFFFFC000  }
0xcd: {  	_ =	swait.ge [sflag:s21], $0x4000  }
0xce: {  	[sflag:s21] =	ssyncset.done $0x0  }
0xcf: {  	[sflag:s21] =	ssyncadd.s32 $0xFFFFC000  }
0xd0: {  	_ =	swait.ge [sflag:s21], $0x4000  }
0xd1: {  	[sflag:s21] =	ssyncset.done $0x0  }
0xd2: {  	p0 =	sne.s32 s0, $0x1;
	[sflag:s21] =	ssyncadd.s32 $0xFFFFC000  }
.Ltmp1:
0xd3: {  	[bflag:$0x0] =	sbarrier.arrive $0xFFFF;
	(pc) =	sbr.rel @p0 .LBB2_1-.Ltmp1, $4  }
0xd4: {  	s1 =	rddreg [dreg:$0x6]  }
0xd5: {  	[hbm:s1], [sflag:s5] =	dma.local [spmem:s7], $0x400  }
0xd6: {  	_ =	swait.ge [sflag:s6], $0x400  }
0xd7: {  	s0 =	sadd.s32 $0xFFFFFFFF, s0;
	[sflag:s6] =	ssyncset.done $0x0  }
.LBB2_2:
0xd8: {  	[sflag:s6] =	ssyncadd.s32 $0xFFFFFC00  }
0xd9: {  	_ =	sfence.sel $0x180000  }
0xda: {  	[bflag:$0x0] =	sbarrier.arrive $0xFFFF  }
0xdb: {  	_ =	strace $0x9000004D  }
0xdc: {  	s0 =	stileid.u32;
	[bflag:$0x2] =	sbarrier.arrive $0xFFFF  }
0xdd: {  	p0 =	sne.s32 s0, $0x0;
	s0 =	rddreg [dreg:$0x3]  }
0xde: {  	s0 =	sadd.s32 @!p0 $0x100000, s0  }
0xdf: {  	[sflag:s0] =	ssyncadd.tile.s32 @!p0 $0x1;
	_ =	shalt  }
.Lfunc_end2:
_tile_overlayer_lowered:
.L_overlay_start_2:
0xe0: {  	(tag) =	ssettag $0x2  }
0xe1: {  	s0 =	rddreg [dreg:$0x0];
	s2 =	stileid.u32  }
0xe2: {  	s1 =	rddreg [dreg:$0x1];
	p0 =	sne.s32 s2, $0x0  }
0xe3: {  	s3 =	rddreg [dreg:$0x2];
	[bflag:$0x3] =	sbarrier.arrive $0xFFFF;
	s2 =	simm.s32 @!p0 $0x1C03  }
0xe4: {  	[timem:s3], [sflag:s2] =	dma.local @!p0 [hbm:s0], s1  }
0xe5: {  	s0 =	simm.s32 @!p0 $0x3  }
0xe6: {  	_ =	swait.ge @!p0 [sflag:s0], s1  }
0xe7: {  	s1 =	ssub.s32 @!p0 $0x0, s1;
	[sflag:s0] =	ssyncset.done @!p0 $0x0  }
0xe8: {  	[sflag:s0] =	ssyncadd.s32 @!p0 s1  }
0xe9: {  	[bflag:$0x3] =	sbarrier.arrive $0xFFFF  }
0xea: {  	_ =	shalt  }

// kernel: kernel.7.cloned.1.call-start
scs
__scs_entry_jumppad:
0x0: {  	(pc) =	sbr.rel $0x88, $3  }
0x1: {  	(tag) =	ssettag $0x0;
	lr =	simm.s32 $0x1  }
0x2: {  	[smem:$0x3F98] =	sst lr;
	_ =	strace $0xD0000000  }
0x3: {  	_ = 	snop  }
0x4: {  	_ = 	snop  }
0x5: {  	_ = 	snop  }
0x6: {  	_ = 	snop  }
0x7: {  	_ = 	snop  }
__scs_overlays_trampoline_lowered:
0x8: {  	[smem:$0x3FA7] =	sst s0  }
0x9: {  	[smem:$0x3FA8] =	sst s1  }
0xa: {  	[smem:$0x3FA9] =	sst s2  }
0xb: {  	[smem:$0x3FAA] =	sst s3  }
0xc: {  	[smem:$0x3FAB] =	sst s4  }
0xd: {  	[smem:$0x3FAC] =	sst s5  }
0xe: {  	[smem:$0x3FAD] =	sst s6  }
0xf: {  	[smem:$0x3FAE] =	sst s7  }
0x10: {  	[smem:$0x3FAF] =	sst s8  }
0x11: {  	[smem:$0x3FB0] =	sst s9;
	s0 =	simm.s32 @!p0 $0x0  }
0x12: {  	s1 =	sld [smem:$0x3F96];
	s0 =	simm.s32 @p0 $0x1  }
0x13: {  	[smem:$0x3FB1] =	sst s0;
	s0 =	simm.s32 @!p1 $0x0  }
0x14: {  	s2 =	sld [smem:$0x3F95];
	s0 =	simm.s32 @p1 $0x1  }
0x15: {  	[smem:$0x3FB2] =	sst s0;
	s0 =	simm.s32 @!p2 $0x0  }
0x16: {  	s3 =	sld [smem:$0x3FDB];
	s0 =	simm.s32 @p2 $0x1  }
0x17: {  	s4 =	simm.s32 $0x1BF5;
	[smem:$0x3FB4] =	sst s0  }
0x18: {  	s0 =	sld [smem:$0x3F97];
	_ =	swait.ge [sflag:s4], $0x0  }
0x19: {  	s7 =	sld [smem:$0x3F98]  }
0x1a: {  	s8 =	sadd.s32 $0xFFFFE003, lr  }
0x1b: {  	s9 =	sadd.s32 $0xFFFFFEF7, lr;
	s5 =	simm.s32 $0xFFFFFFFF;
	p2 =	slt.u32 s8, $0xFFFFF086  }
0x1c: {  	p1 =	slt.u32 s9, $0xF7A;
	s5 =	simm.s32 @!p2 $0x0  }
0x1d: {  	s5 =	simm.s32 @p1 $0x1;
	p0 =	seq.s32 s7, s2  }
0x1e: {  	s7 =	smul.u32 @!p0 $0xF7A, s2;
	p2 =	seq.s32 @!p0 s5, $0x0  }
0x1f: {  	s9 =	smul.u32 $0xF7A, s1;
	s8 =	simm.s32 @!p0 $0x1BF5;
	p2 =	por !p2, p0  }
0x20: {  	[sflag:s8] =	ssyncset.s32 @!p0 $0xFFFFF086;
	s6 =	sadd.s32 @!p0 s3, s7;
	s7 =	simm.s32 @!p0 $0x108  }
0x21: {  	s3 =	sadd.s32 s3, s9;
	s6 =	sadd.s32 @!p0 $0x88, s6;
	s7 =	simm.s32 @p2 $0x1082  }
0x22: {  	[simem:s7], [sflag:s8] =	dma.local @!p0 [hbm:s6], $0xF7A  }
0x23: {  	s9 =	sor.u32 $0xD0000000, s2;
	s6 =	simm.s32 $0x108;
	_ =	swait.ge @!p0 [sflag:s8], $0x0  }
0x24: {  	s3 =	sadd.s32 $0x88, s3;
	s6 =	simm.s32 @!p1 $0x1082;
	[sflag:s4] =	ssyncset.s32 $0xFFFFF086  }
0x25: {  	[simem:s6], [sflag:s4] =	dma.local [hbm:s3], $0xF7A  }
0x26: {  	[smem:$0x3F98] =	sst s1;
	(tag) =	ssettag s2;
	_ =	strace s9  }
0x27: {  	s1 =	sld [smem:$0x3FA8]  }
0x28: {  	s2 =	sld [smem:$0x3FA9]  }
0x29: {  	s4 =	sld [smem:$0x3FAB]  }
0x2a: {  	p0 =	seq.s32 s5, $0x0;
	s5 =	sld [smem:$0x3FAC]  }
0x2b: {  	s6 =	sld [smem:$0x3FAD]  }
0x2c: {  	s7 =	sld [smem:$0x3FAE]  }
0x2d: {  	s3 =	simm.s32 $0x108;
	s8 =	sld [smem:$0x3FAF]  }
0x2e: {  	s3 =	simm.s32 @!p0 $0x1082;
	s9 =	sld [smem:$0x3FB0]  }
0x2f: {  	lr =	sadd.s32 s0, s3;
	s0 =	sld [smem:$0x3FA7]  }
0x30: {  	s3 =	sld [smem:$0x3FAA]  }
0x31: {  	[smem:$0x3FB3] =	sst s10  }
0x32: {  	s10 =	sld [smem:$0x3FB1];
	_ =	sdelay $0x3  }
0x33: {  	p0 =	seq.s32 s10, $0x1;
	s10 =	sld [smem:$0x3FB3];
	_ =	sdelay $0x3  }
0x34: {  	[smem:$0x3FB3] =	sst s10  }
0x35: {  	s10 =	sld [smem:$0x3FB2];
	_ =	sdelay $0x3  }
0x36: {  	p1 =	seq.s32 s10, $0x1;
	s10 =	sld [smem:$0x3FB3];
	_ =	sdelay $0x3  }
0x37: {  	[smem:$0x3FB3] =	sst s10  }
0x38: {  	s10 =	sld [smem:$0x3FB4]  }
0x39: {  	_ = 	snop;
	(pc) =	sbr.ind lr, $3  }
0x3a: {  	_ = 	snop  }
0x3b: {  	_ = 	snop  }
0x3c: {  	p2 =	seq.s32 s10, $0x1;
	s10 =	sld [smem:$0x3FB3]  }
0x3d: {  	_ =	shalt  }
0x3e: {  	_ =	shalt  }
0x3f: {  	_ =	shalt  }
0x40: {  	_ =	shalt  }
0x41: {  	_ =	shalt  }
0x42: {  	_ =	shalt  }
0x43: {  	_ =	shalt  }
0x44: {  	_ =	shalt  }
0x45: {  	_ =	shalt  }
0x46: {  	_ =	shalt  }
0x47: {  	_ =	shalt  }
0x48: {  	_ =	shalt  }
0x49: {  	_ =	shalt  }
0x4a: {  	_ =	shalt  }
0x4b: {  	_ =	shalt  }
0x4c: {  	_ =	shalt  }
0x4d: {  	_ =	shalt  }
0x4e: {  	_ =	shalt  }
0x4f: {  	_ =	shalt  }
0x50: {  	_ =	shalt  }
0x51: {  	_ =	shalt  }
0x52: {  	_ =	shalt  }
0x53: {  	_ =	shalt  }
0x54: {  	_ =	shalt  }
0x55: {  	_ =	shalt  }
0x56: {  	_ =	shalt  }
0x57: {  	_ =	shalt  }
0x58: {  	_ =	shalt  }
0x59: {  	_ =	shalt  }
0x5a: {  	_ =	shalt  }
0x5b: {  	_ =	shalt  }
0x5c: {  	_ =	shalt  }
0x5d: {  	_ =	shalt  }
0x5e: {  	_ =	shalt  }
0x5f: {  	_ =	shalt  }
0x60: {  	_ =	shalt  }
0x61: {  	_ =	shalt  }
0x62: {  	_ =	shalt  }
0x63: {  	_ =	shalt  }
0x64: {  	_ =	shalt  }
0x65: {  	_ =	shalt  }
0x66: {  	_ =	shalt  }
0x67: {  	_ =	shalt  }
0x68: {  	_ =	shalt  }
0x69: {  	_ =	shalt  }
0x6a: {  	_ =	shalt  }
0x6b: {  	_ =	shalt  }
0x6c: {  	_ =	shalt  }
0x6d: {  	_ =	shalt  }
0x6e: {  	_ =	shalt  }
0x6f: {  	_ =	shalt  }
0x70: {  	_ =	shalt  }
0x71: {  	_ =	shalt  }
0x72: {  	_ =	shalt  }
0x73: {  	_ =	shalt  }
0x74: {  	_ =	shalt  }
0x75: {  	_ =	shalt  }
0x76: {  	_ =	shalt  }
0x77: {  	_ =	shalt  }
0x78: {  	_ =	shalt  }
0x79: {  	_ =	shalt  }
0x7a: {  	_ =	shalt  }
0x7b: {  	_ =	shalt  }
0x7c: {  	_ =	shalt  }
0x7d: {  	_ =	shalt  }
0x7e: {  	_ =	shalt  }
0x7f: {  	_ =	shalt  }
0x80: {  	_ =	shalt  }
0x81: {  	_ =	shalt  }
0x82: {  	_ =	shalt  }
0x83: {  	_ =	shalt  }
0x84: {  	_ =	shalt  }
0x85: {  	_ =	shalt  }
0x86: {  	_ =	shalt  }
0x87: {  	_ =	shalt  }
.Lfunc_end0:
.L_simem_size_0:
called_computation_lowered:
.L_overlay_start_0:
0x88: {  	s2 =	sld [smem:$0x3FD9]  }
0x89: {  	s3 =	sld [smem:$0x3FFE];
	_ =	sdelay $0x1  }
0x8a: {  	s1 =	srdreg.scid  }
0x8b: {  	s0 =	sand.u32 $0x1, s1  }
0x8c: {  	s17 =	sshll.u32 s0, $0xA;
	s2 =	sadd.s32 s3, s2  }
0x8d: {  	s2 =	sadd.s32 s2, s17  }
0x8e: {  	[smem:$0x3FBF] =	sst s2  }
0x8f: {  	_ = 	snop  }
0x90: {  	s2 =	sld [smem:$0x3FC9];
	(tm) =	ssettm $0x1  }
0x91: {  	s18 =	sld [smem:$0x3FFB];
	_ =	sdelay $0x3  }
0x92: {  	_ =	strace s18  }
0x93: {  	s3 =	sld [smem:$0x3FFC];
	_ =	sdelay $0x3  }
0x94: {  	_ =	strace s3  }
0x95: {  	s3 =	sld [smem:$0x3FFD];
	_ =	sdelay $0x3  }
0x96: {  	_ =	strace s3  }
0x97: {  	_ =	strace $0x8FFFFFFF  }
0x98: {  	s19 =	sld [smem:$0x3FDB];
	_ =	sdelay $0x1  }
0x99: {  	s4 =	simm.s32 $_scs_section_size  }
0x9a: {  	s5 =	simm.s32 $_size__tile_overlayer_lowered;
	s6 =	simm.s32 $_tile_overlayer_lowered  }
0x9b: {  	s22 =	simm.s32 $0x1BFF;
	s21 =	sshll.u32 s6, $0x1;
	s3 =	sadd.s32 s4, s19  }
0x9c: {  	s7 =	simm.s32 $0x0;
	s20 =	sshll.u32 s5, $0x1;
	s5 =	sadd.s32 s21, s3  }
0x9d: {  	[timem:s7], [sflag:s22] =	dma.local [hbm:s5], s20  }
0x9e: {  	_ =	swait.ge [sflag:s22], s20  }
0x9f: {  	s4 =	ssub.s32 $0x0, s20;
	[sflag:s22] =	ssyncset.done $0x0  }
0xa0: {  	[sflag:s22] =	ssyncadd.s32 s4;
	_ =	sdelay $0x1  }
0xa1: {  	s23 =	simm.s32 $0x1B8B  }
0xa2: {  	_ =	swait.ge [sflag:s23], $0x1  }
0xa3: {  	[sflag:s23] =	ssyncset.done $0x0  }
0xa4: {  	s25 =	simm.s32 $0x1B8E;
	s24 =	sld [smem:$0x3FFE];
	[sflag:s23] =	ssyncadd.s32 $0xFFFFFFFF  }
0xa5: {  	s26 =	simm.s32 $execute0_lowered;
	[smem:$0x3FD2] =	sst s25  }
0xa6: {  	s5 =	sshll.u32 s26, $0x1;
	_ =	strace $0x80000046;
	[dreg:$0x1] =	wrdreg $0xFFFFFFFF  }
0xa7: {  	s28 =	simm.s32 $_size_execute0_lowered;
	s3 =	sadd.s32 s3, s5;
	[dreg:$0x0] =	wrdreg $0x0  }
0xa8: {  	s5 =	sshll.u32 s28, $0x1;
	[dreg:$0x2] =	wrdreg s3  }
0xa9: {  	[dreg:$0x3] =	wrdreg s5  }
0xaa: {  	[dreg:$0x4] =	wrdreg $0xC0  }
0xab: {  	_ =	task [dreg:s7], $0x5FFFF  }
0xac: {  	[dreg:$0x1] =	wrdreg $0xFFFFFFFF  }
0xad: {  	[dreg:$0x0] =	wrdreg $0x60  }
0xae: {  	[dreg:$0x2] =	wrdreg s2  }
0xaf: {  	[dreg:$0x3] =	wrdreg s24  }
0xb0: {  	[dreg:$0x4] =	wrdreg $0x128000  }
0xb1: {  	[dreg:$0x5] =	wrdreg $0x9  }
0xb2: {  	_ =	task.clear_ibuf [dreg:s7], $0x6FFFF;
	_ =	strace $0x90000046  }
0xb3: {  	s29 =	simm.s32 $0x9;
	_ =	strace $0x80000048  }
0xb4: {  	_ =	swait.ge [sflag:s29], $0x1  }
0xb5: {  	[sflag:s29] =	ssyncadd.s32 $0xFFFFFFFF  }
0xb6: {  	_ =	strace $0x90000048  }
0xb7: {  	_ =	sfence  }
0xb8: {  	s30 =	sld [smem:$0x0];
	_ =	sdelay $0x2  }
0xb9: {  	s31 =	sshll.u32 s1, $0xD;
	s1 =	sshrl.u32 s1, $0x2  }
0xba: {  	s3 =	sand.u32 $0x4000, s31;
	s1 =	sadd.s32 s1, s30  }
0xbb: {  	s0 =	sor.u32 s3, s0;
	s1 =	sshll.u32 s1, $0x11  }
0xbc: {  	s0 =	sor.u32 s1, s0  }
0xbd: {  	s0 =	sadd.s32 $0x8F2B, s0  }
0xbe: {  	[sflag:s0] =	ssyncadd.remote.s32 $0x1  }
0xbf: {  	_ =	sfence.sel $0xFFFF  }
0xc0: {  	[dreg:$0x0] =	wrdreg $0xFFFFFFFF;
	(pc) =	sbr.abs _section_cstart, $3  }
0xc1: {  	[dreg:$0x1] =	wrdreg $0xFFFFFFFF  }
0xc2: {  	_ =	task.clear_ibuf [dreg:s7], $0x2FFFF;
	_ =	strace $0x9FFFFFFF  }
0xc3: {  	(tm) =	ssettm $0x7FFFFFFF  }
tec
execute0_lowered:
.L_overlay_start_1:
0x0: {  	(tag) =	ssettag $0x1  }
0x1: {  	s0 =	srdreg.scid;
	s2 =	rddreg [dreg:$0x0]  }
0x2: {  	s10 =	stileid.u32;
	s6 =	rddreg [dreg:$0x1]  }
0x3: {  	s3 =	rddreg [dreg:$0x2];
	s4 =	simm.s32 $0x0;
	s7 =	smul.u32 $0xA000, s10  }
0x4: {  	s0 =	sand.u32 $0x1, s0;
	s1 =	sshll.u32 s10, $0x1;
	s8 =	smul.u32 $0x28000, s10  }
0x5: {  	[smem:$0x7FF] =	sst s4;
	s1 =	sor.u32 s0, s1;
	s5 =	smul.u32 $0xA0000, s0  }
0x6: {  	s19 =	sshll.u32 s10, $0x6;
	s0 =	ssub.s32 $0x2, s0;
	s1 =	smul.u32 $0x280, s1  }
0x7: {  	_ =	strace $0x80000047;
	s17 =	sshrl.u32 s0, $0x1;
	s18 =	sshrl.u32 s8, $0x2  }
0x8: {  	s5 =	sadd.s32 s7, s5;
	s0 =	ssub.s32 s0, s17;
	s1 =	sadd.s32 s1, s6  }
0x9: {  	s7 =	sshrl.u32 s5, $0x3;
	s5 =	sadd.s32 $0xC600, s6;
	s0 =	smax.u32 s0, $0x1  }
0xa: {  	s9 =	sadd.s32 s7, s6;
	s20 =	sadd.s32 $0x7600, s1;
	[dreg:$0x7] =	wrdreg s0  }
0xb: {  	s6 =	sadd.s32 s18, s3;
	s1 =	sadd.s32 $0x2600, s1;
	[dreg:$0x4] =	wrdreg s20  }
0xc: {  	s7 =	sor.u32 $0x1C03, s19;
	[dreg:$0x5] =	wrdreg s1;
	s21 =	sadd.s32 $0xC800, s9  }
0xd: {  	s22 =	sadd.s32 $0x800, s6;
	s23 =	sadd.s32 $0x1000, s6;
	s24 =	sadd.s32 $0x1800, s6  }
0xe: {  	s25 =	sadd.s32 $0x2000, s6;
	s26 =	sadd.s32 $0x2800, s6;
	s11 =	sadd.s32 $0x3000, s6  }
0xf: {  	s12 =	sadd.s32 $0x3800, s6;
	s13 =	sadd.s32 $0x4000, s6;
	s14 =	sadd.s32 $0x4800, s6  }
0x10: {  	s15 =	sadd.s32 $0x5000, s6;
	s16 =	sadd.s32 $0x5800, s6;
	s17 =	sadd.s32 $0x6000, s6  }
0x11: {  	s18 =	sadd.s32 $0x6800, s6;
	[dreg:$0x6] =	wrdreg s21;
	s0 =	sshrl.u32 s22, $0x3  }
0x12: {  	s19 =	sadd.s32 $0x7000, s6;
	s1 =	sshrl.u32 s23, $0x3;
	[dreg:$0x8] =	wrdreg s0  }
0x13: {  	s20 =	sadd.s32 $0x9000, s6;
	s8 =	sshrl.u32 s24, $0x3;
	[dreg:$0x9] =	wrdreg s1  }
0x14: {  	s9 =	sshrl.u32 s25, $0x3;
	s10 =	sshrl.u32 s26, $0x3;
	[dreg:$0xa] =	wrdreg s8  }
0x15: {  	s11 =	sshrl.u32 s11, $0x3;
	s12 =	sshrl.u32 s12, $0x3;
	[dreg:$0xb] =	wrdreg s9  }
0x16: {  	s13 =	sshrl.u32 s13, $0x3;
	s14 =	sshrl.u32 s14, $0x3;
	[dreg:$0xc] =	wrdreg s10  }
0x17: {  	s15 =	sshrl.u32 s15, $0x3;
	s22 =	sshrl.u32 s16, $0x3;
	[dreg:$0xd] =	wrdreg s11  }
0x18: {  	s23 =	sshrl.u32 s17, $0x3;
	s24 =	sshrl.u32 s18, $0x3;
	[dreg:$0xe] =	wrdreg s12  }
0x19: {  	s25 =	sshrl.u32 s19, $0x3;
	s17 =	sadd.s32 $0x7800, s6;
	[dreg:$0xf] =	wrdreg s13  }
0x1a: {  	s18 =	sadd.s32 $0x8000, s6;
	s19 =	sadd.s32 $0x8800, s6;
	[dreg:$0x10] =	wrdreg s14  }
0x1b: {  	s21 =	sadd.s32 $0x9800, s6;
	s30 =	sshrl.u32 s20, $0x3;
	[dreg:$0x11] =	wrdreg s15  }
0x1c: {  	s26 =	sshrl.u32 s17, $0x3;
	s28 =	sshrl.u32 s18, $0x3;
	s29 =	sshrl.u32 s19, $0x3  }
0x1d: {  	s31 =	sshrl.u32 s21, $0x3;
	s1 =	simm.s32 $0x3;
	s0 =	simm.s32 $0x1400  }
0x1e: {  	s8 =	simm.s32 $0x80;
	s9 =	simm.s32 $0x2800;
	s10 =	simm.s32 $0x6800  }
0x1f: {  	s11 =	simm.s32 $0x1;
	s12 =	simm.s32 $0x2;
	s13 =	simm.s32 $0x0  }
.LBB2_1:
0x20: {  	s14 =	sshrl.u32 s6, $0x3  }
0x21: {  	[spmem:s14], [sflag:s7] =	dma.local [hbm:s5], $0x100  }
0x22: {  	_ =	swait.ge [sflag:s1], $0x100  }
0x23: {  	[sflag:s1] =	ssyncset.done $0x0  }
0x24: {  	s15 =	rddreg [dreg:$0x8];
	[sflag:s1] =	ssyncadd.s32 $0xFFFFFF00  }
0x25: {  	[spmem:s15], [sflag:s7] =	dma.local [hbm:s5], $0x100  }
0x26: {  	_ =	swait.ge [sflag:s1], $0x100  }
0x27: {  	[sflag:s1] =	ssyncset.done $0x0  }
0x28: {  	s18 =	rddreg [dreg:$0x9];
	[sflag:s1] =	ssyncadd.s32 $0xFFFFFF00  }
0x29: {  	[spmem:s18], [sflag:s7] =	dma.local [hbm:s5], $0x100  }
0x2a: {  	_ =	swait.ge [sflag:s1], $0x100  }
0x2b: {  	[sflag:s1] =	ssyncset.done $0x0  }
0x2c: {  	s19 =	rddreg [dreg:$0xa];
	[sflag:s1] =	ssyncadd.s32 $0xFFFFFF00  }
0x2d: {  	[spmem:s19], [sflag:s7] =	dma.local [hbm:s5], $0x100  }
0x2e: {  	_ =	swait.ge [sflag:s1], $0x100  }
0x2f: {  	[sflag:s1] =	ssyncset.done $0x0  }
0x30: {  	s20 =	rddreg [dreg:$0xb];
	[sflag:s1] =	ssyncadd.s32 $0xFFFFFF00  }
0x31: {  	[spmem:s20], [sflag:s7] =	dma.local [hbm:s5], $0x100  }
0x32: {  	_ =	swait.ge [sflag:s1], $0x100  }
0x33: {  	[sflag:s1] =	ssyncset.done $0x0  }
0x34: {  	s21 =	rddreg [dreg:$0xc];
	[sflag:s1] =	ssyncadd.s32 $0xFFFFFF00  }
0x35: {  	[spmem:s21], [sflag:s7] =	dma.local [hbm:s5], $0x100  }
0x36: {  	_ =	swait.ge [sflag:s1], $0x100  }
0x37: {  	[sflag:s1] =	ssyncset.done $0x0  }
0x38: {  	s16 =	rddreg [dreg:$0xd];
	[sflag:s1] =	ssyncadd.s32 $0xFFFFFF00  }
0x39: {  	[spmem:s16], [sflag:s7] =	dma.local [hbm:s5], $0x100  }
0x3a: {  	_ =	swait.ge [sflag:s1], $0x100  }
0x3b: {  	[sflag:s1] =	ssyncset.done $0x0  }
0x3c: {  	s17 =	rddreg [dreg:$0xe];
	[sflag:s1] =	ssyncadd.s32 $0xFFFFFF00  }
0x3d: {  	[spmem:s17], [sflag:s7] =	dma.local [hbm:s5], $0x100  }
0x3e: {  	_ =	swait.ge [sflag:s1], $0x100  }
0x3f: {  	[sflag:s1] =	ssyncset.done $0x0  }
0x40: {  	s18 =	rddreg [dreg:$0xf];
	[sflag:s1] =	ssyncadd.s32 $0xFFFFFF00  }
0x41: {  	[spmem:s18], [sflag:s7] =	dma.local [hbm:s5], $0x100  }
0x42: {  	_ =	swait.ge [sflag:s1], $0x100  }
0x43: {  	[sflag:s1] =	ssyncset.done $0x0  }
0x44: {  	s19 =	rddreg [dreg:$0x10];
	[sflag:s1] =	ssyncadd.s32 $0xFFFFFF00  }
0x45: {  	[spmem:s19], [sflag:s7] =	dma.local [hbm:s5], $0x100  }
0x46: {  	_ =	swait.ge [sflag:s1], $0x100  }
0x47: {  	[sflag:s1] =	ssyncset.done $0x0  }
0x48: {  	s20 =	rddreg [dreg:$0x11];
	[sflag:s1] =	ssyncadd.s32 $0xFFFFFF00  }
0x49: {  	[spmem:s20], [sflag:s7] =	dma.local [hbm:s5], $0x100  }
0x4a: {  	_ =	swait.ge [sflag:s1], $0x100  }
0x4b: {  	[sflag:s1] =	ssyncset.done $0x0  }
0x4c: {  	[sflag:s1] =	ssyncadd.s32 $0xFFFFFF00  }
0x4d: {  	[spmem:s22], [sflag:s7] =	dma.local [hbm:s5], $0x100  }
0x4e: {  	_ =	swait.ge [sflag:s1], $0x100  }
0x4f: {  	[sflag:s1] =	ssyncset.done $0x0  }
0x50: {  	[sflag:s1] =	ssyncadd.s32 $0xFFFFFF00  }
0x51: {  	[spmem:s23], [sflag:s7] =	dma.local [hbm:s5], $0x100  }
0x52: {  	_ =	swait.ge [sflag:s1], $0x100  }
0x53: {  	[sflag:s1] =	ssyncset.done $0x0  }
0x54: {  	[sflag:s1] =	ssyncadd.s32 $0xFFFFFF00  }
0x55: {  	[spmem:s24], [sflag:s7] =	dma.local [hbm:s5], $0x100  }
0x56: {  	_ =	swait.ge [sflag:s1], $0x100  }
0x57: {  	[sflag:s1] =	ssyncset.done $0x0  }
0x58: {  	[sflag:s1] =	ssyncadd.s32 $0xFFFFFF00  }
0x59: {  	[spmem:s25], [sflag:s7] =	dma.local [hbm:s5], $0x100  }
0x5a: {  	_ =	swait.ge [sflag:s1], $0x100  }
0x5b: {  	[sflag:s1] =	ssyncset.done $0x0  }
0x5c: {  	[sflag:s1] =	ssyncadd.s32 $0xFFFFFF00  }
0x5d: {  	[spmem:s26], [sflag:s7] =	dma.local [hbm:s5], $0x100  }
0x5e: {  	_ =	swait.ge [sflag:s1], $0x100  }
0x5f: {  	[sflag:s1] =	ssyncset.done $0x0  }
0x60: {  	[sflag:s1] =	ssyncadd.s32 $0xFFFFFF00  }
0x61: {  	[spmem:s28], [sflag:s7] =	dma.local [hbm:s5], $0x100  }
0x62: {  	_ =	swait.ge [sflag:s1], $0x100  }
0x63: {  	[sflag:s1] =	ssyncset.done $0x0  }
0x64: {  	[sflag:s1] =	ssyncadd.s32 $0xFFFFFF00  }
0x65: {  	[spmem:s29], [sflag:s7] =	dma.local [hbm:s5], $0x100  }
0x66: {  	_ =	swait.ge [sflag:s1], $0x100  }
0x67: {  	[sflag:s1] =	ssyncset.done $0x0  }
0x68: {  	[sflag:s1] =	ssyncadd.s32 $0xFFFFFF00  }
0x69: {  	[spmem:s30], [sflag:s7] =	dma.local [hbm:s5], $0x100  }
0x6a: {  	_ =	swait.ge [sflag:s1], $0x100  }
0x6b: {  	[sflag:s1] =	ssyncset.done $0x0  }
0x6c: {  	[sflag:s1] =	ssyncadd.s32 $0xFFFFFF00  }
0x6d: {  	[spmem:s31], [sflag:s7] =	dma.local [hbm:s5], $0x100  }
0x6e: {  	_ =	swait.ge [sflag:s1], $0x100  }
0x6f: {  	[sflag:s1] =	ssyncset.done $0x0  }
0x70: {  	s21 =	rddreg [dreg:$0x4];
	[sflag:s1] =	ssyncadd.s32 $0xFFFFFF00  }
0x71: {  	[tilespmem:s4], [sflag:$0x3] =	stream.linear.gather [hbm4b:s21+s4], $0x1400, $0x38;
	[tilespmem:$0x1C800] =	vst v63  }
0x72: {  	_ =	swait.ge [sflag:s1], $0x1400  }
0x73: {  	[sflag:s1] =	ssyncset.done $0x0  }
0x74: {  	s16 =	rddreg [dreg:$0x5];
	[sflag:s1] =	ssyncadd.s32 $0xFFFFEC00  }
0x75: {  	[tilespmem:s0], [sflag:$0x3] =	stream.linear.gather [hbm4b:s16+s4], $0x1400, $0x38;
	[tilespmem:$0x1C800] =	vst v63  }
0x76: {  	_ =	swait.ge [sflag:s1], $0x1400  }
0x77: {  	[sflag:s1] =	ssyncset.done $0x0  }
0x78: {  	[sflag:s1] =	ssyncadd.s32 $0xFFFFEC00  }
0x79: {  	[bflag:$0x0] =	sbarrier.arrive $0xFFFF  }
0x7a: {  	[tilespmem:s9], [sflag:$0x1] =	stream.indirect.gather [hbm4b:s2+s8], $0x80, s4, s8, $0xb8;
	[tilespmem:$0x1C800] =	vst v63  }
0x7b: {  	_ = 	snop  }
0x7c: {  	[tilespmem:s10], [sflag:$0x1] =	stream.indirect.gather [hbm4b:s2+s8], $0x80, s8, s8, $0xb8;
	[tilespmem:$0x1C800] =	vst v63  }
0x7d: {  	_ =	swait.ge [sflag:s11], $0x4000  }
0x7e: {  	[sflag:s11] =	ssyncset.done $0x0  }
0x7f: {  	[sflag:s11] =	ssyncadd.s32 $0xFFFFC000  }
0x80: {  	[spmem:s3] =	stream.indirect.scatter.add.f32 [tilespmem:s9], [sflag:$0x2], $0x80, s0, s8, $0xb8;
	[tilespmem:$0x1C800] =	vst v63  }
0x81: {  	s17 =	simm.s32 $0x100;
	s16 =	simm.s32 $0xA800  }
0x82: {  	[tilespmem:s16], [sflag:$0x1] =	stream.indirect.gather [hbm4b:s2+s8], $0x80, s17, s8, $0xb8;
	[tilespmem:$0x1C800] =	vst v63  }
0x83: {  	_ =	swait.ge [sflag:s11], $0x4000  }
0x84: {  	p0 =	por $0x0, $0x0;
	s15 =	simm.s32 $0x200;
	[sflag:s11] =	ssyncset.done $0x0  }
0x85: {  	s18 =	simm.s32 $0x1480;
	s21 =	simm.s32 $0x20000;
	[sflag:s11] =	ssyncadd.s32 $0xFFFFC000  }
0x86: {  	[spmem:s3] =	stream.indirect.scatter.add.f32 [tilespmem:s10], [sflag:$0x2], $0x80, s18, s8, $0xb8;
	[tilespmem:$0x1C800] =	vst v63  }
0x87: {  	s19 =	simm.s32 $0x180;
	s20 =	simm.s32 $0xE800;
	s17 =	sand.u32 $0x30000, s21  }
0x88: {  	[tilespmem:s20], [sflag:$0x1] =	stream.indirect.gather [hbm4b:s2+s8], $0x80, s19, s8, $0xb8;
	[tilespmem:$0x1C800] =	vst v63  }
0x89: {  	s16 =	simm.s32 $0x50000;
	s21 =	simm.s32 @!p0 $0x80;
	_ =	swait.ge [sflag:s11], $0x4000  }
0x8a: {  	s18 =	simm.s32 $0x40000;
	s20 =	sshrl.u32 s17, $0x2;
	[sflag:s11] =	ssyncset.done $0x0  }
0x8b: {  	s19 =	simm.s32 $0x1500;
	s20 =	sor.u32 $0x2800, s20;
	[sflag:s11] =	ssyncadd.s32 $0xFFFFC000  }
0x8c: {  	[spmem:s3] =	stream.indirect.scatter.add.f32 [tilespmem:s20], [sflag:$0x2], $0x80, s19, s8, $0xb8;
	[tilespmem:$0x1C800] =	vst v63  }
0x8d: {  	s17 =	simm.s32 $0x280;
	s19 =	sand.u32 @!p0 $0x30000, s18;
	_ =	swait.ge [sflag:s12], $0x4000  }
0x8e: {  	s18 =	simm.s32 $0x1580;
	s20 =	sshrl.u32 @!p0 s19, $0x2;
	[sflag:s12] =	ssyncset.done $0x0  }
0x8f: {  	s19 =	simm.s32 $0x5;
	s20 =	sor.u32 @!p0 $0x2800, s20;
	[sflag:s12] =	ssyncadd.s32 $0xFFFFC000  }
.LBB2_2:
0x90: {  	[tilespmem:s20], [sflag:$0x1] =	stream.indirect.gather @!p0 [hbm4b:s2+s21], $0x80, s15, s21, $0xb8;
	[tilespmem:$0x1C800] =	vst v63  }
0x91: {  	s20 =	smov.u32 s16;
	s15 =	smov.u32 s17  }
0x92: {  	s16 =	sadd.s32 $0x10000, s16;
	_ =	swait.ge [sflag:s11], $0x4000;
	s21 =	sadd.s32 $0xFFFE0000, s20  }
0x93: {  	p1 =	sne.s32 s16, $0x2A0000;
	[sflag:s11] =	ssyncset.done $0x0;
	s21 =	sand.u32 $0x30000, s21  }
0x94: {  	s17 =	sadd.s32 $0x80, s17;
	[sflag:s11] =	ssyncadd.s32 $0xFFFFC000;
	s21 =	sshrl.u32 s21, $0x2  }
.Ltmp0:
0x95: {  	p0 =	sgt.u32 s19, $0x27;
	s21 =	sor.u32 $0x2800, s21;
	(pc) =	sbr.rel @p1 .LBB2_2-.Ltmp0, $4  }
0x96: {  	[spmem:s3] =	stream.indirect.scatter.add.f32 [tilespmem:s21], [sflag:$0x2], $0x80, s18, s8, $0xb8;
	[tilespmem:$0x1C800] =	vst v63  }
0x97: {  	s20 =	sand.u32 @!p0 $0x30000, s20;
	s18 =	sadd.s32 $0x80, s18;
	_ =	swait.ge [sflag:s12], $0x4000  }
0x98: {  	s19 =	sadd.s32 $0x1, s19;
	s20 =	sshrl.u32 @!p0 s20, $0x2;
	[sflag:s12] =	ssyncset.done $0x0  }
0x99: {  	s20 =	sor.u32 @!p0 $0x2800, s20;
	s21 =	simm.s32 @!p0 $0x80;
	[sflag:s12] =	ssyncadd.s32 $0xFFFFC000  }
0x9a: {  	[tilespmem:s20], [sflag:$0x1] =	stream.indirect.gather @!p0 [hbm4b:s2+s21], $0x80, s15, s21, $0xb8;
	[tilespmem:$0x1C800] =	vst v63  }
0x9b: {  	_ =	swait.ge [sflag:s12], $0x4000  }
0x9c: {  	[sflag:s12] =	ssyncset.done $0x0  }
0x9d: {  	[sflag:s12] =	ssyncadd.s32 $0xFFFFC000  }
0x9e: {  	_ =	swait.ge [sflag:s12], $0x4000  }
0x9f: {  	[sflag:s12] =	ssyncset.done $0x0  }
0xa0: {  	[sflag:s12] =	ssyncadd.s32 $0xFFFFC000  }
0xa1: {  	[bflag:$0x0] =	sbarrier.arrive $0xFFFF  }
0xa2: {  	s20 =	rddreg [dreg:$0x6]  }
0xa3: {  	[hbm:s20], [sflag:s7] =	dma.local [spmem:s14], $0x1400  }
0xa4: {  	_ =	swait.ge [sflag:s1], $0x1400  }
0xa5: {  	s13 =	sadd.s32 $0x1, s13;
	s21 =	rddreg [dreg:$0x7]  }
0xa6: {  	p0 =	sne.s32 s13, s21  }
.Ltmp1:
0xa7: {  	_ = 	snop;
	(pc) =	sbr.rel @p0 .LBB2_1-.Ltmp1, $3  }
0xa8: {  	_ =	sdelay $0x1  }
0xa9: {  	[sflag:s1] =	ssyncset.done $0x0  }
0xaa: {  	[sflag:s1] =	ssyncadd.s32 $0xFFFFEC00  }
0xab: {  	_ =	sfence.sel $0x180000  }
0xac: {  	[bflag:$0x0] =	sbarrier.arrive $0xFFFF  }
0xad: {  	_ =	strace $0x90000047  }
0xae: {  	s0 =	stileid.u32;
	[bflag:$0x2] =	sbarrier.arrive $0xFFFF  }
0xaf: {  	p0 =	sne.s32 s0, $0x0;
	s0 =	rddreg [dreg:$0x3]  }
0xb0: {  	s0 =	sadd.s32 @!p0 $0x100000, s0  }
0xb1: {  	[sflag:s0] =	ssyncadd.tile.s32 @!p0 $0x1;
	_ =	shalt  }
.Lfunc_end2:
_tile_overlayer_lowered:
.L_overlay_start_2:
0xb2: {  	(tag) =	ssettag $0x2  }
0xb3: {  	s0 =	rddreg [dreg:$0x0];
	s2 =	stileid.u32  }
0xb4: {  	s1 =	rddreg [dreg:$0x1];
	p0 =	sne.s32 s2, $0x0  }
0xb5: {  	s3 =	rddreg [dreg:$0x2];
	[bflag:$0x3] =	sbarrier.arrive $0xFFFF;
	s2 =	simm.s32 @!p0 $0x1C03  }
0xb6: {  	[timem:s3], [sflag:s2] =	dma.local @!p0 [hbm:s0], s1  }
0xb7: {  	s0 =	simm.s32 @!p0 $0x3  }
0xb8: {  	_ =	swait.ge @!p0 [sflag:s0], s1  }
0xb9: {  	s1 =	ssub.s32 @!p0 $0x0, s1;
	[sflag:s0] =	ssyncset.done @!p0 $0x0  }
0xba: {  	[sflag:s0] =	ssyncadd.s32 @!p0 s1  }
0xbb: {  	[bflag:$0x3] =	sbarrier.arrive $0xFFFF  }
0xbc: {  	_ =	shalt  }

</sc_bundles>
